<compile_context>
chip_gen: v7x
topology: tpu7x:2x2x1
jax: 0.10.2.dev20260603
libtpu: 0.0.44.dev20260713+nightly
codegen_flags: <defaults>
</compile_context>

<pallas_src>
import functools

import jax
import jax.numpy as jnp
from jax import lax
from jax.experimental import pallas as pl
from jax.experimental.pallas import tpu as pltpu
from jax.experimental.pallas import tpu_sc as plsc

D = 128
NLANES = 16
NVEC = D // NLANES
CHUNK = 128
HALF = CHUNK // 2
UNROLL = 2


def _pool_body(nseg_per_tile, nc, embs_h, batches_h, lens_h, out_h,
               lens_v, idx_v, rows_v, out_v, sem):
  wid = lax.axis_index("s") * nc + lax.axis_index("c")
  seg0 = wid * nseg_per_tile

  pltpu.sync_copy(lens_h, lens_v)

  def issue(off, buf):
    pltpu.sync_copy(batches_h.at[pl.ds(pl.multiple_of(off, 8), CHUNK)],
                    idx_v.at[buf])
    for h in range(2):
      pltpu.async_copy(embs_h.at[idx_v.at[buf, pl.ds(h * HALF, HALF)]],
                       rows_v.at[buf, pl.ds(h * HALF, HALF)],
                       sem.at[buf, h])

  def wait(buf):
    for h in range(2):
      pltpu.make_async_copy(embs_h.at[idx_v.at[buf, pl.ds(h * HALF, HALF)]],
                            rows_v.at[buf, pl.ds(h * HALF, HALF)],
                            sem.at[buf, h]).wait()

  def seg_body(i, st):
    inflight, poff = st
    lv = lens_v[pl.ds(seg0 + i, NLANES)]
    start = lv[0]
    end = lv[1]
    endn = lv[2]
    base = lax.bitwise_and(start, -8)
    nch = jnp.where(end > start, (end - base + (CHUNK - 1)) // CHUNK, 0)
    basen = lax.bitwise_and(end, -8)
    nchn = jnp.where(
        (endn > end) & (i + 1 < nseg_per_tile),
        (endn - basen + (CHUNK - 1)) // CHUNK, 0)

    @pl.when((inflight == 0) & (nch > 0))
    def _prologue():
      issue(base, poff)

    def chunk_body(j, carry):
      p = lax.rem(j + poff, 2)
      q = 1 - p
      last = j + 1 >= nch

      @pl.when(~last)
      def _issue_next():
        issue(base + (j + 1) * CHUNK, q)

      @pl.when(last & (nchn > 0))
      def _issue_next_seg():
        issue(basen, q)

      wait(p)

      astart = base + j * CHUNK
      r_lo = jnp.maximum(start - astart, 0)
      r_hi = jnp.minimum(end - astart, CHUNK)

      def accum(r, c):
        sums, mins, maxs = c
        new_s = []
        new_mn = []
        new_mx = []
        for d in range(NVEC):
          v = rows_v[p, r, pl.ds(d * NLANES, NLANES)]
          new_s.append(sums[d] + v)
          new_mn.append(jnp.minimum(mins[d], v))
          new_mx.append(jnp.maximum(maxs[d], v))
        return tuple(new_s), tuple(new_mn), tuple(new_mx)

      def blk_body(t, c):
        r = r_lo + t * UNROLL
        for k in range(UNROLL):
          c = accum(r + k, c)
        return c

      nb = (r_hi - r_lo) // UNROLL
      carry = lax.fori_loop(0, nb, blk_body, carry)
      return lax.fori_loop(r_lo + nb * UNROLL, r_hi, accum, carry)

    zero = jnp.zeros((NLANES,), jnp.float32)
    pinf = jnp.full((NLANES,), jnp.inf, jnp.float32)
    ninf = jnp.full((NLANES,), -jnp.inf, jnp.float32)
    init = (
        tuple(zero for _ in range(NVEC)),
        tuple(pinf for _ in range(NVEC)),
        tuple(ninf for _ in range(NVEC)),
    )
    sums, mins, maxs = lax.fori_loop(0, nch, chunk_body, init)

    n = end - start
    nv = jnp.full((NLANES,), 1.0, jnp.float32) * jnp.maximum(
        n.astype(jnp.float32), 1.0)
    nonempty = n > 0
    for d in range(NVEC):
      col = d * NLANES
      out_v[i, pl.ds(col, NLANES)] = sums[d]
      out_v[i, pl.ds(D + col, NLANES)] = sums[d] / nv
      out_v[i, pl.ds(2 * D + col, NLANES)] = jnp.where(nonempty, mins[d], 0.0)
      out_v[i, pl.ds(3 * D + col, NLANES)] = jnp.where(nonempty, maxs[d], 0.0)
    new_inflight = jnp.where(nch > 0, (nchn > 0).astype(jnp.int32), inflight)
    new_poff = jnp.where(nch > 0, lax.rem(poff + nch, 2), poff)
    return new_inflight, new_poff

  lax.fori_loop(0, nseg_per_tile, seg_body,
                (jnp.int32(0), jnp.int32(0)))
  pltpu.sync_copy(out_v, out_h.at[pl.ds(seg0, nseg_per_tile)])


@jax.jit
def kernel(embs, batches, lens):
  nseg = lens.shape[0] - 1

  info = plsc.get_sparse_core_info()
  nc, ns = info.num_cores, info.num_subcores
  nw = nc * ns
  nseg_per_tile = nseg // nw
  assert nseg_per_tile * nw == nseg

  batches_p = jnp.pad(batches, (0, CHUNK + 8))
  lens_pad = (-(nseg + 1)) % 16 + 16
  lens_p = jnp.pad(lens, (0, lens_pad), mode="edge")

  body = functools.partial(_pool_body, nseg_per_tile, nc)
  out = pl.kernel(
      body,
      out_type=jax.ShapeDtypeStruct((nseg, 4 * D), jnp.float32),
      mesh=plsc.VectorSubcoreMesh(core_axis_name="c", subcore_axis_name="s"),
      scratch_types=[
          pltpu.VMEM((lens.shape[0] + lens_pad,), jnp.int32),
          pltpu.VMEM((2, CHUNK), jnp.int32),
          pltpu.VMEM((2, CHUNK, D), jnp.float32),
          pltpu.VMEM((nseg_per_tile, 4 * D), jnp.float32),
          pltpu.SemaphoreType.DMA((2, 2)),
      ],
  )(embs, batches_p, lens_p)
  return out

# --- scband reference (transcript-rebuilt; emitter-appended) ---
"""Pipeline reference for scband-multi-pool-27685359190611 (READ-ONLY COPY).

The authoritative reference and input builder live on the scoring server;
editing this copy changes nothing except your own understanding.
"""

import jax, jax.numpy as jnp
import numpy as np

N_NODES = 10000
N_EDGES = 320000
D = 128
B = 2048


def setup_inputs(seed: int = 0) -> dict:
    key = jax.random.key(seed)
    k1, k2, k3 = jax.random.split(key, 3)
    embs = jax.random.normal(k1, (N_NODES, D), dtype=jnp.float32)
    batches = jax.random.randint(k2, (N_EDGES,), 0, N_NODES, dtype=jnp.int64 if jax.config.jax_enable_x64 else jnp.int32).astype(jnp.int32)
    lens = jnp.sort(jax.random.randint(k3, (B + 1,), 0, N_EDGES, dtype=jnp.int32))
    return {"embs": embs, "batches": batches, "lens": lens}


def _segment_ids(lens, total):
    # CSR offsets -> per-row segment id; rows outside [lens[0], lens[-1]) are invalid
    pos = jnp.arange(total)
    seg = jnp.searchsorted(lens, pos, side='right') - 1
    valid = (pos >= lens[0]) & (pos < lens[-1])
    nseg = lens.shape[0] - 1
    seg = jnp.clip(seg, 0, nseg - 1)
    return seg, valid


def reference(embs, batches, lens):
    # src = embs[batches]  (gather)
    src = jnp.take(embs, batches, axis=0)
    total = src.shape[0]
    nseg = lens.shape[0] - 1
    seg, valid = _segment_ids(lens, total)
    # route invalid rows to a dummy extra segment
    seg_safe = jnp.where(valid, seg, nseg)

    src_sum = jnp.where(valid[:, None], src, 0.0)
    sum_ = jax.ops.segment_sum(src_sum, seg_safe, num_segments=nseg + 1)[:nseg]
    counts = jax.ops.segment_sum(valid.astype(jnp.float32), seg_safe, num_segments=nseg + 1)[:nseg]
    mean_ = sum_ / jnp.maximum(counts, 1.0)[:, None]

    src_min = jnp.where(valid[:, None], src, jnp.inf)
    src_max = jnp.where(valid[:, None], src, -jnp.inf)
    min_ = jax.ops.segment_min(src_min, seg_safe, num_segments=nseg + 1)[:nseg]
    max_ = jax.ops.segment_max(src_max, seg_safe, num_segments=nseg + 1)[:nseg]

    empty = (counts == 0.0)[:, None]
    min_ = jnp.where(empty, 0.0, min_)
    max_ = jnp.where(empty, 0.0, max_)

    return jnp.concatenate([sum_, mean_, min_, max_], axis=1)

if __name__ == "__main__":
    import jax
    _d = setup_inputs()
    print(jax.jit(kernel)(*tuple(_d.values())))

</pallas_src>

<mosaic_0001>
#map = affine_map<(d0, d1) -> (0, 0)>
#map1 = affine_map<(d0, d1) -> (0)>
module attributes {stable_mosaic.version = 14 : i64} {
  func.func @_pool_body(%arg0: i32, %arg1: i32, %arg2: memref<10000x128xf32, #tpu.memory_space<hbm>>, %arg3: memref<320136xi32, #tpu.memory_space<hbm>>, %arg4: memref<2080xi32, #tpu.memory_space<hbm>>, %arg5: memref<2048x512xf32, #tpu.memory_space<hbm>>, %arg6: memref<2080xi32, #tpu.memory_space<vmem>>, %arg7: memref<2x128xi32, #tpu.memory_space<vmem>>, %arg8: memref<2x128x128xf32, #tpu.memory_space<vmem>>, %arg9: memref<64x512xf32, #tpu.memory_space<vmem>>, %arg10: memref<2x2x!tpu.dma_semaphore, #tpu.memory_space<semaphore_mem>>) attributes {dimension_semantics = [#tpu.dimension_semantics<core_parallel>, #tpu.dimension_semantics<subcore_parallel>], iteration_bounds = array<i64: 2, 16>, scalar_prefetch = 0 : i64, scratch_operands = 5 : i64, tpu.core_type = #tpu.core_type<sc_vector_subcore>, window_params = [{transform_indices = #map}, {transform_indices = #map1}, {transform_indices = #map1}, {transform_indices = #map}]} {
    %mul3A = arith.constant 2 : i32
    %mul3A_0 = arith.muli %arg1, %mul3A : i32
    %add3A = arith.addi %mul3A_0, %arg0 : i32
    %mul3A_1 = arith.constant 64 : i32
    %mul3A_2 = arith.muli %add3A, %mul3A_1 : i32
    "tpu.region"() ({
      %run_scoped3A = tpu.sem_alloc : memref<!tpu.dma_semaphore, #tpu.memory_space<semaphore_mem>>
      tpu.enqueue_dma source(%arg4 : memref<2080xi32, #tpu.memory_space<hbm>>) target(%arg6 : memref<2080xi32, #tpu.memory_space<vmem>>) target_semaphore(%run_scoped3A : memref<!tpu.dma_semaphore, #tpu.memory_space<semaphore_mem>>)
      tpu.wait_dma2 semaphore(%run_scoped3A : memref<!tpu.dma_semaphore, #tpu.memory_space<semaphore_mem>>) src(%arg4 : memref<2080xi32, #tpu.memory_space<hbm>>) dst(%arg6 : memref<2080xi32, #tpu.memory_space<vmem>>)
      tpu.yield
    }) : () -> ()
    %scan3A = arith.constant 0 : i32
    %scan3A_3 = arith.constant 0 : i32
    %scan3A_4 = arith.constant 0 : i32
    %scan3A_5 = arith.constant 64 : i32
    %scan3A_6 = arith.addi %scan3A_4, %scan3A_5 : i32
    %scan3A_7 = arith.constant 1 : i32
    %scan3A_8:2 = scf.for %scan3A_10 = %scan3A_4 to %scan3A_6 step %scan3A_7 iter_args(%scan3A_11 = %scan3A, %scan3A_12 = %scan3A_3) -> (i32, i32)  : i32 {
      %add3A_13 = arith.addi %mul3A_2, %scan3A_10 : i32
      %get3A = arith.index_cast %add3A_13 : i32 to index
      %get3A_14 = tpu.vector_load %arg6[%get3A] {strides = array<i32>} : memref<2080xi32, #tpu.memory_space<vmem>>, vector<16xi32>,
      %get3A_15 = vector.shape_cast %get3A_14 : vector<16xi32> to vector<16xi32>
      %slice3A = vector.extract_strided_slice %get3A_15 {offsets = [0], sizes = [1], strides = [1]} : vector<16xi32> to vector<1xi32>
      %squeeze3A = vector.extract %slice3A[0] : i32 from vector<1xi32>
      %slice3A_16 = vector.extract_strided_slice %get3A_15 {offsets = [1], sizes = [1], strides = [1]} : vector<16xi32> to vector<1xi32>
      %squeeze3A_17 = vector.extract %slice3A_16[0] : i32 from vector<1xi32>
      %slice3A_18 = vector.extract_strided_slice %get3A_15 {offsets = [2], sizes = [1], strides = [1]} : vector<16xi32> to vector<1xi32>
      %squeeze3A_19 = vector.extract %slice3A_18[0] : i32 from vector<1xi32>
      %and3A = arith.constant -8 : i32
      %and3A_20 = arith.andi %squeeze3A, %and3A : i32
      %gt3A = arith.cmpi sgt, %squeeze3A_17, %squeeze3A : i32
      %sub3A = arith.subi %squeeze3A_17, %and3A_20 : i32
      %add3A_21 = arith.constant 127 : i32
      %add3A_22 = arith.addi %sub3A, %add3A_21 : i32
      %jit3A = arith.constant 128 : i32
      %div3A = arith.divsi %add3A_22, %jit3A : i32
      %sign3A = arith.constant 0 : i32
      %sign3A_23 = arith.cmpi sgt, %add3A_22, %sign3A : i32
      %sign3A_24 = arith.extui %sign3A_23 : i1 to i32
      %sign3A_25 = arith.constant 0 : i32
      %sign3A_26 = arith.cmpi slt, %add3A_22, %sign3A_25 : i32
      %sign3A_27 = arith.extui %sign3A_26 : i1 to i32
      %sign3A_28 = arith.subi %sign3A_24, %sign3A_27 : i32
      %sign3A_29 = arith.constant 0 : i32
      %sign3A_30 = arith.cmpi sgt, %jit3A, %sign3A_29 : i32
      %sign3A_31 = arith.extui %sign3A_30 : i1 to i32
      %sign3A_32 = arith.constant 0 : i32
      %sign3A_33 = arith.cmpi slt, %jit3A, %sign3A_32 : i32
      %sign3A_34 = arith.extui %sign3A_33 : i1 to i32
      %sign3A_35 = arith.subi %sign3A_31, %sign3A_34 : i32
      %ne3A = arith.cmpi ne, %sign3A_28, %sign3A_35 : i32
      %rem3A = arith.remsi %add3A_22, %jit3A : i32
      %ne3A_36 = arith.constant 0 : i32
      %ne3A_37 = arith.cmpi ne, %rem3A, %ne3A_36 : i32
      %and3A_38 = arith.andi %ne3A, %ne3A_37 : i1
      %sub3A_39 = arith.constant 1 : i32
      %sub3A_40 = arith.subi %div3A, %sub3A_39 : i32
      %select_n3A = arith.select %and3A_38, %sub3A_40, %div3A : i32
      %jit3A_41 = arith.constant 0 : i32
      %select_n3A_42 = arith.select %gt3A, %select_n3A, %jit3A_41 : i32
      %and3A_43 = arith.constant -8 : i32
      %and3A_44 = arith.andi %squeeze3A_17, %and3A_43 : i32
      %gt3A_45 = arith.cmpi sgt, %squeeze3A_19, %squeeze3A_17 : i32
      %add3A_46 = arith.constant 1 : i32
      %add3A_47 = arith.addi %scan3A_10, %add3A_46 : i32
      %lt3A = arith.constant 64 : i32
      %lt3A_48 = arith.cmpi slt, %add3A_47, %lt3A : i32
      %and3A_49 = arith.andi %gt3A_45, %lt3A_48 : i1
      %sub3A_50 = arith.subi %squeeze3A_19, %and3A_44 : i32
      %add3A_51 = arith.constant 127 : i32
      %add3A_52 = arith.addi %sub3A_50, %add3A_51 : i32
      %jit3A_53 = arith.constant 128 : i32
      %div3A_54 = arith.divsi %add3A_52, %jit3A_53 : i32
      %sign3A_55 = arith.constant 0 : i32
      %sign3A_56 = arith.cmpi sgt, %add3A_52, %sign3A_55 : i32
      %sign3A_57 = arith.extui %sign3A_56 : i1 to i32
      %sign3A_58 = arith.constant 0 : i32
      %sign3A_59 = arith.cmpi slt, %add3A_52, %sign3A_58 : i32
      %sign3A_60 = arith.extui %sign3A_59 : i1 to i32
      %sign3A_61 = arith.subi %sign3A_57, %sign3A_60 : i32
      %sign3A_62 = arith.constant 0 : i32
      %sign3A_63 = arith.cmpi sgt, %jit3A_53, %sign3A_62 : i32
      %sign3A_64 = arith.extui %sign3A_63 : i1 to i32
      %sign3A_65 = arith.constant 0 : i32
      %sign3A_66 = arith.cmpi slt, %jit3A_53, %sign3A_65 : i32
      %sign3A_67 = arith.extui %sign3A_66 : i1 to i32
      %sign3A_68 = arith.subi %sign3A_64, %sign3A_67 : i32
      %ne3A_69 = arith.cmpi ne, %sign3A_61, %sign3A_68 : i32
      %rem3A_70 = arith.remsi %add3A_52, %jit3A_53 : i32
      %ne3A_71 = arith.constant 0 : i32
      %ne3A_72 = arith.cmpi ne, %rem3A_70, %ne3A_71 : i32
      %and3A_73 = arith.andi %ne3A_69, %ne3A_72 : i1
      %sub3A_74 = arith.constant 1 : i32
      %sub3A_75 = arith.subi %div3A_54, %sub3A_74 : i32
      %select_n3A_76 = arith.select %and3A_73, %sub3A_75, %div3A_54 : i32
      %jit3A_77 = arith.constant 0 : i32
      %select_n3A_78 = arith.select %and3A_49, %select_n3A_76, %jit3A_77 : i32
      %eq3A = arith.constant 0 : i32
      %eq3A_79 = arith.cmpi eq, %scan3A_11, %eq3A : i32
      %gt3A_80 = arith.constant 0 : i32
      %gt3A_81 = arith.cmpi sgt, %select_n3A_42, %gt3A_80 : i32
      %and3A_82 = arith.andi %eq3A_79, %gt3A_81 : i1
      %convert_element_type3A = arith.extui %and3A_82 : i1 to i32
      %cond3A = arith.constant 0 : i32
      %cond3A_83 = arith.cmpi ne, %convert_element_type3A, %cond3A : i32
      scf.if %cond3A_83 {
        %multiple_of3A = tpu.assume_multiple %and3A_20, 8 : i32
        "tpu.region"() ({
          %run_scoped3A = tpu.sem_alloc : memref<!tpu.dma_semaphore, #tpu.memory_space<semaphore_mem>>
          %dma_start3A_360 = arith.constant 0 : i32
          %dma_start3A_361 = tpu.memref_slice %arg7[%scan3A_12, %dma_start3A_360] : memref<2x128xi32, #tpu.memory_space<vmem>> -> memref<1x128xi32, #tpu.memory_space<vmem>>
          %dma_start3A_362 = tpu.memref_squeeze %dma_start3A_361 : memref<1x128xi32, #tpu.memory_space<vmem>> -> memref<128xi32, #tpu.memory_space<vmem>>
          %dma_start3A_363 = tpu.memref_slice %arg3[%multiple_of3A] : memref<320136xi32, #tpu.memory_space<hbm>> -> memref<128xi32, #tpu.memory_space<hbm>>
          %dma_start3A_364 = arith.constant 0 : i32
          %dma_start3A_365 = tpu.memref_slice %arg7[%scan3A_12, %dma_start3A_364] : memref<2x128xi32, #tpu.memory_space<vmem>> -> memref<1x128xi32, #tpu.memory_space<vmem>>
          %dma_start3A_366 = tpu.memref_squeeze %dma_start3A_365 : memref<1x128xi32, #tpu.memory_space<vmem>> -> memref<128xi32, #tpu.memory_space<vmem>>
          %dma_start3A_367 = tpu.memref_slice %arg3[%multiple_of3A] : memref<320136xi32, #tpu.memory_space<hbm>> -> memref<128xi32, #tpu.memory_space<hbm>>
          tpu.enqueue_dma source(%dma_start3A_367 : memref<128xi32, #tpu.memory_space<hbm>>) target(%dma_start3A_366 : memref<128xi32, #tpu.memory_space<vmem>>) target_semaphore(%run_scoped3A : memref<!tpu.dma_semaphore, #tpu.memory_space<semaphore_mem>>)
          %dma_wait3A = arith.constant 0 : i32
          %dma_wait3A_368 = tpu.memref_slice %arg7[%scan3A_12, %dma_wait3A] : memref<2x128xi32, #tpu.memory_space<vmem>> -> memref<1x128xi32, #tpu.memory_space<vmem>>
          %dma_wait3A_369 = tpu.memref_squeeze %dma_wait3A_368 : memref<1x128xi32, #tpu.memory_space<vmem>> -> memref<128xi32, #tpu.memory_space<vmem>>
          %dma_wait3A_370 = tpu.memref_slice %arg3[%multiple_of3A] : memref<320136xi32, #tpu.memory_space<hbm>> -> memref<128xi32, #tpu.memory_space<hbm>>
          %dma_wait3A_371 = arith.constant 0 : i32
          %dma_wait3A_372 = tpu.memref_slice %arg7[%scan3A_12, %dma_wait3A_371] : memref<2x128xi32, #tpu.memory_space<vmem>> -> memref<1x128xi32, #tpu.memory_space<vmem>>
          %dma_wait3A_373 = tpu.memref_squeeze %dma_wait3A_372 : memref<1x128xi32, #tpu.memory_space<vmem>> -> memref<128xi32, #tpu.memory_space<vmem>>
          %dma_wait3A_374 = tpu.memref_slice %arg3[%multiple_of3A] : memref<320136xi32, #tpu.memory_space<hbm>> -> memref<128xi32, #tpu.memory_space<hbm>>
          tpu.wait_dma2 semaphore(%run_scoped3A : memref<!tpu.dma_semaphore, #tpu.memory_space<semaphore_mem>>) src(%dma_wait3A_374 : memref<128xi32, #tpu.memory_space<hbm>>) dst(%dma_wait3A_373 : memref<128xi32, #tpu.memory_space<vmem>>)
          tpu.yield
        }) : () -> ()
        %dma_start3A = arith.constant 0 : i32
        %dma_start3A_335 = arith.constant 0 : i32
        %dma_start3A_336 = arith.constant 0 : i32
        %dma_start3A_337 = tpu.memref_slice %arg8[%scan3A_12, %dma_start3A_335, %dma_start3A_336] : memref<2x128x128xf32, #tpu.memory_space<vmem>> -> memref<1x64x128xf32, #tpu.memory_space<vmem>>
        %dma_start3A_338 = tpu.memref_squeeze %dma_start3A_337 : memref<1x64x128xf32, #tpu.memory_space<vmem>> -> memref<64x128xf32, #tpu.memory_space<vmem>>
        %dma_start3A_339 = arith.constant 0 : i32
        %dma_start3A_340 = tpu.memref_slice %arg7[%scan3A_12, %dma_start3A_339] : memref<2x128xi32, #tpu.memory_space<vmem>> -> memref<1x64xi32, #tpu.memory_space<vmem>>
        %dma_start3A_341 = tpu.memref_squeeze %dma_start3A_340 : memref<1x64xi32, #tpu.memory_space<vmem>> -> memref<64xi32, #tpu.memory_space<vmem>>
        %dma_start3A_342 = arith.constant 0 : i32
        %dma_start3A_343 = arith.constant 0 : i32
        %dma_start3A_344 = tpu.memref_slice %arg2[%dma_start3A_342, %dma_start3A_343] : memref<10000x128xf32, #tpu.memory_space<hbm>> -> memref<10000x128xf32, #tpu.memory_space<hbm>>
        %dma_start3A_345 = tpu.memref_slice %arg10[%scan3A_12, %dma_start3A] : memref<2x2x!tpu.dma_semaphore, #tpu.memory_space<semaphore_mem>> -> memref<1x1x!tpu.dma_semaphore, #tpu.memory_space<semaphore_mem>>
        %dma_start3A_346 = tpu.memref_squeeze %dma_start3A_345 : memref<1x1x!tpu.dma_semaphore, #tpu.memory_space<semaphore_mem>> -> memref<!tpu.dma_semaphore, #tpu.memory_space<semaphore_mem>>
        tpu.enqueue_indirect_dma source(%dma_start3A_344 : memref<10000x128xf32, #tpu.memory_space<hbm>>) target(%dma_start3A_338 : memref<64x128xf32, #tpu.memory_space<vmem>>) offsets(%dma_start3A_341 : memref<64xi32, #tpu.memory_space<vmem>>) semaphore(%dma_start3A_346 : memref<!tpu.dma_semaphore, #tpu.memory_space<semaphore_mem>>)
        %dma_start3A_347 = arith.constant 1 : i32
        %dma_start3A_348 = arith.constant 64 : i32
        %dma_start3A_349 = arith.constant 0 : i32
        %dma_start3A_350 = tpu.memref_slice %arg8[%scan3A_12, %dma_start3A_348, %dma_start3A_349] : memref<2x128x128xf32, #tpu.memory_space<vmem>> -> memref<1x64x128xf32, #tpu.memory_space<vmem>>
        %dma_start3A_351 = tpu.memref_squeeze %dma_start3A_350 : memref<1x64x128xf32, #tpu.memory_space<vmem>> -> memref<64x128xf32, #tpu.memory_space<vmem>>
        %dma_start3A_352 = arith.constant 64 : i32
        %dma_start3A_353 = tpu.memref_slice %arg7[%scan3A_12, %dma_start3A_352] : memref<2x128xi32, #tpu.memory_space<vmem>> -> memref<1x64xi32, #tpu.memory_space<vmem>>
        %dma_start3A_354 = tpu.memref_squeeze %dma_start3A_353 : memref<1x64xi32, #tpu.memory_space<vmem>> -> memref<64xi32, #tpu.memory_space<vmem>>
        %dma_start3A_355 = arith.constant 0 : i32
        %dma_start3A_356 = arith.constant 0 : i32
        %dma_start3A_357 = tpu.memref_slice %arg2[%dma_start3A_355, %dma_start3A_356] : memref<10000x128xf32, #tpu.memory_space<hbm>> -> memref<10000x128xf32, #tpu.memory_space<hbm>>
        %dma_start3A_358 = tpu.memref_slice %arg10[%scan3A_12, %dma_start3A_347] : memref<2x2x!tpu.dma_semaphore, #tpu.memory_space<semaphore_mem>> -> memref<1x1x!tpu.dma_semaphore, #tpu.memory_space<semaphore_mem>>
        %dma_start3A_359 = tpu.memref_squeeze %dma_start3A_358 : memref<1x1x!tpu.dma_semaphore, #tpu.memory_space<semaphore_mem>> -> memref<!tpu.dma_semaphore, #tpu.memory_space<semaphore_mem>>
        tpu.enqueue_indirect_dma source(%dma_start3A_357 : memref<10000x128xf32, #tpu.memory_space<hbm>>) target(%dma_start3A_351 : memref<64x128xf32, #tpu.memory_space<vmem>>) offsets(%dma_start3A_354 : memref<64xi32, #tpu.memory_space<vmem>>) semaphore(%dma_start3A_359 : memref<!tpu.dma_semaphore, #tpu.memory_space<semaphore_mem>>)
      } else {
      }
      %broadcast_in_dim3A = arith.constant 0.000000e+00 : f32
      %broadcast_in_dim3A_84 = vector.broadcast %broadcast_in_dim3A : f32 to vector<16xf32>
      %broadcast_in_dim3A_85 = arith.constant 0x7F800000 : f32
      %broadcast_in_dim3A_86 = vector.broadcast %broadcast_in_dim3A_85 : f32 to vector<16xf32>
      %broadcast_in_dim3A_87 = arith.constant 0xFF800000 : f32
      %broadcast_in_dim3A_88 = vector.broadcast %broadcast_in_dim3A_87 : f32 to vector<16xf32>
      %while3A = arith.constant 0 : i32
      %while3A_89 = arith.subi %select_n3A_42, %while3A : i32
      %while3A_90 = arith.addi %while3A, %while3A_89 : i32
      %while3A_91 = arith.constant 1 : i32
      %while3A_92 = arith.divsi %while3A_89, %while3A_91 : i32
      %while3A_93 = arith.muli %while3A_92, %while3A_91 : i32
      %while3A_94 = arith.addi %while3A, %while3A_93 : i32
      %while3A_95 = arith.constant 1 : i32
      %while3A_96:24 = scf.for %while3A_335 = %while3A to %while3A_94 step %while3A_95 iter_args(%while3A_336 = %broadcast_in_dim3A_84, %while3A_337 = %broadcast_in_dim3A_84, %while3A_338 = %broadcast_in_dim3A_84, %while3A_339 = %broadcast_in_dim3A_84, %while3A_340 = %broadcast_in_dim3A_84, %while3A_341 = %broadcast_in_dim3A_84, %while3A_342 = %broadcast_in_dim3A_84, %while3A_343 = %broadcast_in_dim3A_84, %while3A_344 = %broadcast_in_dim3A_86, %while3A_345 = %broadcast_in_dim3A_86, %while3A_346 = %broadcast_in_dim3A_86, %while3A_347 = %broadcast_in_dim3A_86, %while3A_348 = %broadcast_in_dim3A_86, %while3A_349 = %broadcast_in_dim3A_86, %while3A_350 = %broadcast_in_dim3A_86, %while3A_351 = %broadcast_in_dim3A_86, %while3A_352 = %broadcast_in_dim3A_88, %while3A_353 = %broadcast_in_dim3A_88, %while3A_354 = %broadcast_in_dim3A_88, %while3A_355 = %broadcast_in_dim3A_88, %while3A_356 = %broadcast_in_dim3A_88, %while3A_357 = %broadcast_in_dim3A_88, %while3A_358 = %broadcast_in_dim3A_88, %while3A_359 = %broadcast_in_dim3A_88) -> (vector<16xf32>, vector<16xf32>, vector<16xf32>, vector<16xf32>, vector<16xf32>, vector<16xf32>, vector<16xf32>, vector<16xf32>, vector<16xf32>, vector<16xf32>, vector<16xf32>, vector<16xf32>, vector<16xf32>, vector<16xf32>, vector<16xf32>, vector<16xf32>, vector<16xf32>, vector<16xf32>, vector<16xf32>, vector<16xf32>, vector<16xf32>, vector<16xf32>, vector<16xf32>, vector<16xf32>)  : i32 {
        %add3A_360 = arith.addi %while3A_335, %scan3A_12 : i32
        %rem3A_361 = arith.constant 2 : i32
        %rem3A_362 = arith.remsi %add3A_360, %rem3A_361 : i32
        %sub3A_363 = arith.constant 1 : i32
        %sub3A_364 = arith.subi %sub3A_363, %rem3A_362 : i32
        %add3A_365 = arith.constant 1 : i32
        %add3A_366 = arith.addi %while3A_335, %add3A_365 : i32
        %ge3A = arith.cmpi sge, %add3A_366, %select_n3A_42 : i32
        %not3A = arith.constant true
        %not3A_367 = arith.xori %ge3A, %not3A : i1
        %convert_element_type3A_368 = arith.extui %not3A_367 : i1 to i32
        %cond3A_369 = arith.constant 0 : i32
        %cond3A_370 = arith.cmpi ne, %convert_element_type3A_368, %cond3A_369 : i32
        scf.if %cond3A_370 {
          %add3A_459 = arith.constant 1 : i32
          %add3A_460 = arith.addi %while3A_335, %add3A_459 : i32
          %mul3A_461 = arith.constant 128 : i32
          %mul3A_462 = arith.muli %add3A_460, %mul3A_461 : i32
          %add3A_463 = arith.addi %and3A_20, %mul3A_462 : i32
          %multiple_of3A = tpu.assume_multiple %add3A_463, 8 : i32
          "tpu.region"() ({
            %run_scoped3A = tpu.sem_alloc : memref<!tpu.dma_semaphore, #tpu.memory_space<semaphore_mem>>
            %dma_start3A_489 = arith.constant 0 : i32
            %dma_start3A_490 = tpu.memref_slice %arg7[%sub3A_364, %dma_start3A_489] : memref<2x128xi32, #tpu.memory_space<vmem>> -> memref<1x128xi32, #tpu.memory_space<vmem>>
            %dma_start3A_491 = tpu.memref_squeeze %dma_start3A_490 : memref<1x128xi32, #tpu.memory_space<vmem>> -> memref<128xi32, #tpu.memory_space<vmem>>
            %dma_start3A_492 = tpu.memref_slice %arg3[%multiple_of3A] : memref<320136xi32, #tpu.memory_space<hbm>> -> memref<128xi32, #tpu.memory_space<hbm>>
            %dma_start3A_493 = arith.constant 0 : i32
            %dma_start3A_494 = tpu.memref_slice %arg7[%sub3A_364, %dma_start3A_493] : memref<2x128xi32, #tpu.memory_space<vmem>> -> memref<1x128xi32, #tpu.memory_space<vmem>>
            %dma_start3A_495 = tpu.memref_squeeze %dma_start3A_494 : memref<1x128xi32, #tpu.memory_space<vmem>> -> memref<128xi32, #tpu.memory_space<vmem>>
            %dma_start3A_496 = tpu.memref_slice %arg3[%multiple_of3A] : memref<320136xi32, #tpu.memory_space<hbm>> -> memref<128xi32, #tpu.memory_space<hbm>>
            tpu.enqueue_dma source(%dma_start3A_496 : memref<128xi32, #tpu.memory_space<hbm>>) target(%dma_start3A_495 : memref<128xi32, #tpu.memory_space<vmem>>) target_semaphore(%run_scoped3A : memref<!tpu.dma_semaphore, #tpu.memory_space<semaphore_mem>>)
            %dma_wait3A_497 = arith.constant 0 : i32
            %dma_wait3A_498 = tpu.memref_slice %arg7[%sub3A_364, %dma_wait3A_497] : memref<2x128xi32, #tpu.memory_space<vmem>> -> memref<1x128xi32, #tpu.memory_space<vmem>>
            %dma_wait3A_499 = tpu.memref_squeeze %dma_wait3A_498 : memref<1x128xi32, #tpu.memory_space<vmem>> -> memref<128xi32, #tpu.memory_space<vmem>>
            %dma_wait3A_500 = tpu.memref_slice %arg3[%multiple_of3A] : memref<320136xi32, #tpu.memory_space<hbm>> -> memref<128xi32, #tpu.memory_space<hbm>>
            %dma_wait3A_501 = arith.constant 0 : i32
            %dma_wait3A_502 = tpu.memref_slice %arg7[%sub3A_364, %dma_wait3A_501] : memref<2x128xi32, #tpu.memory_space<vmem>> -> memref<1x128xi32, #tpu.memory_space<vmem>>
            %dma_wait3A_503 = tpu.memref_squeeze %dma_wait3A_502 : memref<1x128xi32, #tpu.memory_space<vmem>> -> memref<128xi32, #tpu.memory_space<vmem>>
            %dma_wait3A_504 = tpu.memref_slice %arg3[%multiple_of3A] : memref<320136xi32, #tpu.memory_space<hbm>> -> memref<128xi32, #tpu.memory_space<hbm>>
            tpu.wait_dma2 semaphore(%run_scoped3A : memref<!tpu.dma_semaphore, #tpu.memory_space<semaphore_mem>>) src(%dma_wait3A_504 : memref<128xi32, #tpu.memory_space<hbm>>) dst(%dma_wait3A_503 : memref<128xi32, #tpu.memory_space<vmem>>)
            tpu.yield
          }) : () -> ()
          %dma_start3A = arith.constant 0 : i32
          %dma_start3A_464 = arith.constant 0 : i32
          %dma_start3A_465 = arith.constant 0 : i32
          %dma_start3A_466 = tpu.memref_slice %arg8[%sub3A_364, %dma_start3A_464, %dma_start3A_465] : memref<2x128x128xf32, #tpu.memory_space<vmem>> -> memref<1x64x128xf32, #tpu.memory_space<vmem>>
          %dma_start3A_467 = tpu.memref_squeeze %dma_start3A_466 : memref<1x64x128xf32, #tpu.memory_space<vmem>> -> memref<64x128xf32, #tpu.memory_space<vmem>>
          %dma_start3A_468 = arith.constant 0 : i32
          %dma_start3A_469 = tpu.memref_slice %arg7[%sub3A_364, %dma_start3A_468] : memref<2x128xi32, #tpu.memory_space<vmem>> -> memref<1x64xi32, #tpu.memory_space<vmem>>
          %dma_start3A_470 = tpu.memref_squeeze %dma_start3A_469 : memref<1x64xi32, #tpu.memory_space<vmem>> -> memref<64xi32, #tpu.memory_space<vmem>>
          %dma_start3A_471 = arith.constant 0 : i32
          %dma_start3A_472 = arith.constant 0 : i32
          %dma_start3A_473 = tpu.memref_slice %arg2[%dma_start3A_471, %dma_start3A_472] : memref<10000x128xf32, #tpu.memory_space<hbm>> -> memref<10000x128xf32, #tpu.memory_space<hbm>>
          %dma_start3A_474 = tpu.memref_slice %arg10[%sub3A_364, %dma_start3A] : memref<2x2x!tpu.dma_semaphore, #tpu.memory_space<semaphore_mem>> -> memref<1x1x!tpu.dma_semaphore, #tpu.memory_space<semaphore_mem>>
          %dma_start3A_475 = tpu.memref_squeeze %dma_start3A_474 : memref<1x1x!tpu.dma_semaphore, #tpu.memory_space<semaphore_mem>> -> memref<!tpu.dma_semaphore, #tpu.memory_space<semaphore_mem>>
          tpu.enqueue_indirect_dma source(%dma_start3A_473 : memref<10000x128xf32, #tpu.memory_space<hbm>>) target(%dma_start3A_467 : memref<64x128xf32, #tpu.memory_space<vmem>>) offsets(%dma_start3A_470 : memref<64xi32, #tpu.memory_space<vmem>>) semaphore(%dma_start3A_475 : memref<!tpu.dma_semaphore, #tpu.memory_space<semaphore_mem>>)
          %dma_start3A_476 = arith.constant 1 : i32
          %dma_start3A_477 = arith.constant 64 : i32
          %dma_start3A_478 = arith.constant 0 : i32
          %dma_start3A_479 = tpu.memref_slice %arg8[%sub3A_364, %dma_start3A_477, %dma_start3A_478] : memref<2x128x128xf32, #tpu.memory_space<vmem>> -> memref<1x64x128xf32, #tpu.memory_space<vmem>>
          %dma_start3A_480 = tpu.memref_squeeze %dma_start3A_479 : memref<1x64x128xf32, #tpu.memory_space<vmem>> -> memref<64x128xf32, #tpu.memory_space<vmem>>
          %dma_start3A_481 = arith.constant 64 : i32
          %dma_start3A_482 = tpu.memref_slice %arg7[%sub3A_364, %dma_start3A_481] : memref<2x128xi32, #tpu.memory_space<vmem>> -> memref<1x64xi32, #tpu.memory_space<vmem>>
          %dma_start3A_483 = tpu.memref_squeeze %dma_start3A_482 : memref<1x64xi32, #tpu.memory_space<vmem>> -> memref<64xi32, #tpu.memory_space<vmem>>
          %dma_start3A_484 = arith.constant 0 : i32
          %dma_start3A_485 = arith.constant 0 : i32
          %dma_start3A_486 = tpu.memref_slice %arg2[%dma_start3A_484, %dma_start3A_485] : memref<10000x128xf32, #tpu.memory_space<hbm>> -> memref<10000x128xf32, #tpu.memory_space<hbm>>
          %dma_start3A_487 = tpu.memref_slice %arg10[%sub3A_364, %dma_start3A_476] : memref<2x2x!tpu.dma_semaphore, #tpu.memory_space<semaphore_mem>> -> memref<1x1x!tpu.dma_semaphore, #tpu.memory_space<semaphore_mem>>
          %dma_start3A_488 = tpu.memref_squeeze %dma_start3A_487 : memref<1x1x!tpu.dma_semaphore, #tpu.memory_space<semaphore_mem>> -> memref<!tpu.dma_semaphore, #tpu.memory_space<semaphore_mem>>
          tpu.enqueue_indirect_dma source(%dma_start3A_486 : memref<10000x128xf32, #tpu.memory_space<hbm>>) target(%dma_start3A_480 : memref<64x128xf32, #tpu.memory_space<vmem>>) offsets(%dma_start3A_483 : memref<64xi32, #tpu.memory_space<vmem>>) semaphore(%dma_start3A_488 : memref<!tpu.dma_semaphore, #tpu.memory_space<semaphore_mem>>)
        } else {
        }
        %gt3A_371 = arith.constant 0 : i32
        %gt3A_372 = arith.cmpi sgt, %select_n3A_78, %gt3A_371 : i32
        %and3A_373 = arith.andi %ge3A, %gt3A_372 : i1
        %convert_element_type3A_374 = arith.extui %and3A_373 : i1 to i32
        %cond3A_375 = arith.constant 0 : i32
        %cond3A_376 = arith.cmpi ne, %convert_element_type3A_374, %cond3A_375 : i32
        scf.if %cond3A_376 {
          %multiple_of3A = tpu.assume_multiple %and3A_44, 8 : i32
          "tpu.region"() ({
            %run_scoped3A = tpu.sem_alloc : memref<!tpu.dma_semaphore, #tpu.memory_space<semaphore_mem>>
            %dma_start3A_484 = arith.constant 0 : i32
            %dma_start3A_485 = tpu.memref_slice %arg7[%sub3A_364, %dma_start3A_484] : memref<2x128xi32, #tpu.memory_space<vmem>> -> memref<1x128xi32, #tpu.memory_space<vmem>>
            %dma_start3A_486 = tpu.memref_squeeze %dma_start3A_485 : memref<1x128xi32, #tpu.memory_space<vmem>> -> memref<128xi32, #tpu.memory_space<vmem>>
            %dma_start3A_487 = tpu.memref_slice %arg3[%multiple_of3A] : memref<320136xi32, #tpu.memory_space<hbm>> -> memref<128xi32, #tpu.memory_space<hbm>>
            %dma_start3A_488 = arith.constant 0 : i32
            %dma_start3A_489 = tpu.memref_slice %arg7[%sub3A_364, %dma_start3A_488] : memref<2x128xi32, #tpu.memory_space<vmem>> -> memref<1x128xi32, #tpu.memory_space<vmem>>
            %dma_start3A_490 = tpu.memref_squeeze %dma_start3A_489 : memref<1x128xi32, #tpu.memory_space<vmem>> -> memref<128xi32, #tpu.memory_space<vmem>>
            %dma_start3A_491 = tpu.memref_slice %arg3[%multiple_of3A] : memref<320136xi32, #tpu.memory_space<hbm>> -> memref<128xi32, #tpu.memory_space<hbm>>
            tpu.enqueue_dma source(%dma_start3A_491 : memref<128xi32, #tpu.memory_space<hbm>>) target(%dma_start3A_490 : memref<128xi32, #tpu.memory_space<vmem>>) target_semaphore(%run_scoped3A : memref<!tpu.dma_semaphore, #tpu.memory_space<semaphore_mem>>)
            %dma_wait3A_492 = arith.constant 0 : i32
            %dma_wait3A_493 = tpu.memref_slice %arg7[%sub3A_364, %dma_wait3A_492] : memref<2x128xi32, #tpu.memory_space<vmem>> -> memref<1x128xi32, #tpu.memory_space<vmem>>
            %dma_wait3A_494 = tpu.memref_squeeze %dma_wait3A_493 : memref<1x128xi32, #tpu.memory_space<vmem>> -> memref<128xi32, #tpu.memory_space<vmem>>
            %dma_wait3A_495 = tpu.memref_slice %arg3[%multiple_of3A] : memref<320136xi32, #tpu.memory_space<hbm>> -> memref<128xi32, #tpu.memory_space<hbm>>
            %dma_wait3A_496 = arith.constant 0 : i32
            %dma_wait3A_497 = tpu.memref_slice %arg7[%sub3A_364, %dma_wait3A_496] : memref<2x128xi32, #tpu.memory_space<vmem>> -> memref<1x128xi32, #tpu.memory_space<vmem>>
            %dma_wait3A_498 = tpu.memref_squeeze %dma_wait3A_497 : memref<1x128xi32, #tpu.memory_space<vmem>> -> memref<128xi32, #tpu.memory_space<vmem>>
            %dma_wait3A_499 = tpu.memref_slice %arg3[%multiple_of3A] : memref<320136xi32, #tpu.memory_space<hbm>> -> memref<128xi32, #tpu.memory_space<hbm>>
            tpu.wait_dma2 semaphore(%run_scoped3A : memref<!tpu.dma_semaphore, #tpu.memory_space<semaphore_mem>>) src(%dma_wait3A_499 : memref<128xi32, #tpu.memory_space<hbm>>) dst(%dma_wait3A_498 : memref<128xi32, #tpu.memory_space<vmem>>)
            tpu.yield
          }) : () -> ()
          %dma_start3A = arith.constant 0 : i32
          %dma_start3A_459 = arith.constant 0 : i32
          %dma_start3A_460 = arith.constant 0 : i32
          %dma_start3A_461 = tpu.memref_slice %arg8[%sub3A_364, %dma_start3A_459, %dma_start3A_460] : memref<2x128x128xf32, #tpu.memory_space<vmem>> -> memref<1x64x128xf32, #tpu.memory_space<vmem>>
          %dma_start3A_462 = tpu.memref_squeeze %dma_start3A_461 : memref<1x64x128xf32, #tpu.memory_space<vmem>> -> memref<64x128xf32, #tpu.memory_space<vmem>>
          %dma_start3A_463 = arith.constant 0 : i32
          %dma_start3A_464 = tpu.memref_slice %arg7[%sub3A_364, %dma_start3A_463] : memref<2x128xi32, #tpu.memory_space<vmem>> -> memref<1x64xi32, #tpu.memory_space<vmem>>
          %dma_start3A_465 = tpu.memref_squeeze %dma_start3A_464 : memref<1x64xi32, #tpu.memory_space<vmem>> -> memref<64xi32, #tpu.memory_space<vmem>>
          %dma_start3A_466 = arith.constant 0 : i32
          %dma_start3A_467 = arith.constant 0 : i32
          %dma_start3A_468 = tpu.memref_slice %arg2[%dma_start3A_466, %dma_start3A_467] : memref<10000x128xf32, #tpu.memory_space<hbm>> -> memref<10000x128xf32, #tpu.memory_space<hbm>>
          %dma_start3A_469 = tpu.memref_slice %arg10[%sub3A_364, %dma_start3A] : memref<2x2x!tpu.dma_semaphore, #tpu.memory_space<semaphore_mem>> -> memref<1x1x!tpu.dma_semaphore, #tpu.memory_space<semaphore_mem>>
          %dma_start3A_470 = tpu.memref_squeeze %dma_start3A_469 : memref<1x1x!tpu.dma_semaphore, #tpu.memory_space<semaphore_mem>> -> memref<!tpu.dma_semaphore, #tpu.memory_space<semaphore_mem>>
          tpu.enqueue_indirect_dma source(%dma_start3A_468 : memref<10000x128xf32, #tpu.memory_space<hbm>>) target(%dma_start3A_462 : memref<64x128xf32, #tpu.memory_space<vmem>>) offsets(%dma_start3A_465 : memref<64xi32, #tpu.memory_space<vmem>>) semaphore(%dma_start3A_470 : memref<!tpu.dma_semaphore, #tpu.memory_space<semaphore_mem>>)
          %dma_start3A_471 = arith.constant 1 : i32
          %dma_start3A_472 = arith.constant 64 : i32
          %dma_start3A_473 = arith.constant 0 : i32
          %dma_start3A_474 = tpu.memref_slice %arg8[%sub3A_364, %dma_start3A_472, %dma_start3A_473] : memref<2x128x128xf32, #tpu.memory_space<vmem>> -> memref<1x64x128xf32, #tpu.memory_space<vmem>>
          %dma_start3A_475 = tpu.memref_squeeze %dma_start3A_474 : memref<1x64x128xf32, #tpu.memory_space<vmem>> -> memref<64x128xf32, #tpu.memory_space<vmem>>
          %dma_start3A_476 = arith.constant 64 : i32
          %dma_start3A_477 = tpu.memref_slice %arg7[%sub3A_364, %dma_start3A_476] : memref<2x128xi32, #tpu.memory_space<vmem>> -> memref<1x64xi32, #tpu.memory_space<vmem>>
          %dma_start3A_478 = tpu.memref_squeeze %dma_start3A_477 : memref<1x64xi32, #tpu.memory_space<vmem>> -> memref<64xi32, #tpu.memory_space<vmem>>
          %dma_start3A_479 = arith.constant 0 : i32
          %dma_start3A_480 = arith.constant 0 : i32
          %dma_start3A_481 = tpu.memref_slice %arg2[%dma_start3A_479, %dma_start3A_480] : memref<10000x128xf32, #tpu.memory_space<hbm>> -> memref<10000x128xf32, #tpu.memory_space<hbm>>
          %dma_start3A_482 = tpu.memref_slice %arg10[%sub3A_364, %dma_start3A_471] : memref<2x2x!tpu.dma_semaphore, #tpu.memory_space<semaphore_mem>> -> memref<1x1x!tpu.dma_semaphore, #tpu.memory_space<semaphore_mem>>
          %dma_start3A_483 = tpu.memref_squeeze %dma_start3A_482 : memref<1x1x!tpu.dma_semaphore, #tpu.memory_space<semaphore_mem>> -> memref<!tpu.dma_semaphore, #tpu.memory_space<semaphore_mem>>
          tpu.enqueue_indirect_dma source(%dma_start3A_481 : memref<10000x128xf32, #tpu.memory_space<hbm>>) target(%dma_start3A_475 : memref<64x128xf32, #tpu.memory_space<vmem>>) offsets(%dma_start3A_478 : memref<64xi32, #tpu.memory_space<vmem>>) semaphore(%dma_start3A_483 : memref<!tpu.dma_semaphore, #tpu.memory_space<semaphore_mem>>)
        } else {
        }
        %dma_wait3A = arith.constant 0 : i32
        %dma_wait3A_377 = arith.constant 0 : i32
        %dma_wait3A_378 = arith.constant 0 : i32
        %dma_wait3A_379 = tpu.memref_slice %arg8[%rem3A_362, %dma_wait3A_377, %dma_wait3A_378] : memref<2x128x128xf32, #tpu.memory_space<vmem>> -> memref<1x64x128xf32, #tpu.memory_space<vmem>>
        %dma_wait3A_380 = tpu.memref_squeeze %dma_wait3A_379 : memref<1x64x128xf32, #tpu.memory_space<vmem>> -> memref<64x128xf32, #tpu.memory_space<vmem>>
        %dma_wait3A_381 = arith.constant 0 : i32
        %dma_wait3A_382 = tpu.memref_slice %arg7[%rem3A_362, %dma_wait3A_381] : memref<2x128xi32, #tpu.memory_space<vmem>> -> memref<1x64xi32, #tpu.memory_space<vmem>>
        %dma_wait3A_383 = tpu.memref_squeeze %dma_wait3A_382 : memref<1x64xi32, #tpu.memory_space<vmem>> -> memref<64xi32, #tpu.memory_space<vmem>>
        %dma_wait3A_384 = arith.constant 0 : i32
        %dma_wait3A_385 = arith.constant 0 : i32
        %dma_wait3A_386 = tpu.memref_slice %arg2[%dma_wait3A_384, %dma_wait3A_385] : memref<10000x128xf32, #tpu.memory_space<hbm>> -> memref<10000x128xf32, #tpu.memory_space<hbm>>
        %dma_wait3A_387 = tpu.memref_slice %arg10[%rem3A_362, %dma_wait3A] : memref<2x2x!tpu.dma_semaphore, #tpu.memory_space<semaphore_mem>> -> memref<1x1x!tpu.dma_semaphore, #tpu.memory_space<semaphore_mem>>
        %dma_wait3A_388 = tpu.memref_squeeze %dma_wait3A_387 : memref<1x1x!tpu.dma_semaphore, #tpu.memory_space<semaphore_mem>> -> memref<!tpu.dma_semaphore, #tpu.memory_space<semaphore_mem>>
        tpu.wait_indirect_dma semaphore(%dma_wait3A_388 : memref<!tpu.dma_semaphore, #tpu.memory_space<semaphore_mem>>) src(%dma_wait3A_386 : memref<10000x128xf32, #tpu.memory_space<hbm>>) dst(%dma_wait3A_380 : memref<64x128xf32, #tpu.memory_space<vmem>>)
        %dma_wait3A_389 = arith.constant 1 : i32
        %dma_wait3A_390 = arith.constant 64 : i32
        %dma_wait3A_391 = arith.constant 0 : i32
        %dma_wait3A_392 = tpu.memref_slice %arg8[%rem3A_362, %dma_wait3A_390, %dma_wait3A_391] : memref<2x128x128xf32, #tpu.memory_space<vmem>> -> memref<1x64x128xf32, #tpu.memory_space<vmem>>
        %dma_wait3A_393 = tpu.memref_squeeze %dma_wait3A_392 : memref<1x64x128xf32, #tpu.memory_space<vmem>> -> memref<64x128xf32, #tpu.memory_space<vmem>>
        %dma_wait3A_394 = arith.constant 64 : i32
        %dma_wait3A_395 = tpu.memref_slice %arg7[%rem3A_362, %dma_wait3A_394] : memref<2x128xi32, #tpu.memory_space<vmem>> -> memref<1x64xi32, #tpu.memory_space<vmem>>
        %dma_wait3A_396 = tpu.memref_squeeze %dma_wait3A_395 : memref<1x64xi32, #tpu.memory_space<vmem>> -> memref<64xi32, #tpu.memory_space<vmem>>
        %dma_wait3A_397 = arith.constant 0 : i32
        %dma_wait3A_398 = arith.constant 0 : i32
        %dma_wait3A_399 = tpu.memref_slice %arg2[%dma_wait3A_397, %dma_wait3A_398] : memref<10000x128xf32, #tpu.memory_space<hbm>> -> memref<10000x128xf32, #tpu.memory_space<hbm>>
        %dma_wait3A_400 = tpu.memref_slice %arg10[%rem3A_362, %dma_wait3A_389] : memref<2x2x!tpu.dma_semaphore, #tpu.memory_space<semaphore_mem>> -> memref<1x1x!tpu.dma_semaphore, #tpu.memory_space<semaphore_mem>>
        %dma_wait3A_401 = tpu.memref_squeeze %dma_wait3A_400 : memref<1x1x!tpu.dma_semaphore, #tpu.memory_space<semaphore_mem>> -> memref<!tpu.dma_semaphore, #tpu.memory_space<semaphore_mem>>
        tpu.wait_indirect_dma semaphore(%dma_wait3A_401 : memref<!tpu.dma_semaphore, #tpu.memory_space<semaphore_mem>>) src(%dma_wait3A_399 : memref<10000x128xf32, #tpu.memory_space<hbm>>) dst(%dma_wait3A_393 : memref<64x128xf32, #tpu.memory_space<vmem>>)
        %mul3A_402 = arith.constant 128 : i32
        %mul3A_403 = arith.muli %while3A_335, %mul3A_402 : i32
        %add3A_404 = arith.addi %and3A_20, %mul3A_403 : i32
        %sub3A_405 = arith.subi %squeeze3A, %add3A_404 : i32
        %max3A_406 = arith.constant 0 : i32
        %max3A_407 = arith.maxsi %sub3A_405, %max3A_406 : i32
        %sub3A_408 = arith.subi %squeeze3A_17, %add3A_404 : i32
        %min3A = arith.constant 128 : i32
        %min3A_409 = arith.minsi %sub3A_408, %min3A : i32
        %sub3A_410 = arith.subi %min3A_409, %max3A_407 : i32
        %jit3A_411 = arith.constant 2 : i32
        %div3A_412 = arith.divsi %sub3A_410, %jit3A_411 : i32
        %sign3A_413 = arith.constant 0 : i32
        %sign3A_414 = arith.cmpi sgt, %sub3A_410, %sign3A_413 : i32
        %sign3A_415 = arith.extui %sign3A_414 : i1 to i32
        %sign3A_416 = arith.constant 0 : i32
        %sign3A_417 = arith.cmpi slt, %sub3A_410, %sign3A_416 : i32
        %sign3A_418 = arith.extui %sign3A_417 : i1 to i32
        %sign3A_419 = arith.subi %sign3A_415, %sign3A_418 : i32
        %sign3A_420 = arith.constant 0 : i32
        %sign3A_421 = arith.cmpi sgt, %jit3A_411, %sign3A_420 : i32
        %sign3A_422 = arith.extui %sign3A_421 : i1 to i32
        %sign3A_423 = arith.constant 0 : i32
        %sign3A_424 = arith.cmpi slt, %jit3A_411, %sign3A_423 : i32
        %sign3A_425 = arith.extui %sign3A_424 : i1 to i32
        %sign3A_426 = arith.subi %sign3A_422, %sign3A_425 : i32
        %ne3A_427 = arith.cmpi ne, %sign3A_419, %sign3A_426 : i32
        %rem3A_428 = arith.remsi %sub3A_410, %jit3A_411 : i32
        %ne3A_429 = arith.constant 0 : i32
        %ne3A_430 = arith.cmpi ne, %rem3A_428, %ne3A_429 : i32
        %and3A_431 = arith.andi %ne3A_427, %ne3A_430 : i1
        %sub3A_432 = arith.constant 1 : i32
        %sub3A_433 = arith.subi %div3A_412, %sub3A_432 : i32
        %select_n3A_434 = arith.select %and3A_431, %sub3A_433, %div3A_412 : i32
        %while3A_435 = arith.constant 0 : i32
        %while3A_436 = arith.subi %select_n3A_434, %while3A_435 : i32
        %while3A_437 = arith.addi %while3A_435, %while3A_436 : i32
        %while3A_438 = arith.constant 1 : i32
        %while3A_439 = arith.divsi %while3A_436, %while3A_438 : i32
        %while3A_440 = arith.muli %while3A_439, %while3A_438 : i32
        %while3A_441 = arith.addi %while3A_435, %while3A_440 : i32
        %while3A_442 = arith.constant 1 : i32
        %while3A_443:24 = scf.for %while3A_459 = %while3A_435 to %while3A_441 step %while3A_442 iter_args(%while3A_460 = %while3A_336, %while3A_461 = %while3A_337, %while3A_462 = %while3A_338, %while3A_463 = %while3A_339, %while3A_464 = %while3A_340, %while3A_465 = %while3A_341, %while3A_466 = %while3A_342, %while3A_467 = %while3A_343, %while3A_468 = %while3A_344, %while3A_469 = %while3A_345, %while3A_470 = %while3A_346, %while3A_471 = %while3A_347, %while3A_472 = %while3A_348, %while3A_473 = %while3A_349, %while3A_474 = %while3A_350, %while3A_475 = %while3A_351, %while3A_476 = %while3A_352, %while3A_477 = %while3A_353, %while3A_478 = %while3A_354, %while3A_479 = %while3A_355, %while3A_480 = %while3A_356, %while3A_481 = %while3A_357, %while3A_482 = %while3A_358, %while3A_483 = %while3A_359) -> (vector<16xf32>, vector<16xf32>, vector<16xf32>, vector<16xf32>, vector<16xf32>, vector<16xf32>, vector<16xf32>, vector<16xf32>, vector<16xf32>, vector<16xf32>, vector<16xf32>, vector<16xf32>, vector<16xf32>, vector<16xf32>, vector<16xf32>, vector<16xf32>, vector<16xf32>, vector<16xf32>, vector<16xf32>, vector<16xf32>, vector<16xf32>, vector<16xf32>, vector<16xf32>, vector<16xf32>)  : i32 {
          %mul3A_484 = arith.constant 2 : i32
          %mul3A_485 = arith.muli %while3A_459, %mul3A_484 : i32
          %add3A_486 = arith.addi %max3A_407, %mul3A_485 : i32
          %add3A_487 = arith.constant 0 : i32
          %add3A_488 = arith.addi %add3A_486, %add3A_487 : i32
          %get3A_489 = arith.index_cast %rem3A_362 : i32 to index
          %get3A_490 = arith.index_cast %add3A_488 : i32 to index
          %get3A_491 = arith.constant 0 : index
          %get3A_492 = tpu.vector_load %arg8[%get3A_489, %get3A_490, %get3A_491] {strides = array<i32>} : memref<2x128x128xf32, #tpu.memory_space<vmem>>, vector<1x1x16xf32>,
          %get3A_493 = vector.shape_cast %get3A_492 : vector<1x1x16xf32> to vector<16xf32>
          %add3A_494 = arith.addf %while3A_460, %get3A_493 : vector<16xf32>
          %min3A_495 = arith.minimumf %while3A_468, %get3A_493 : vector<16xf32>
          %max3A_496 = arith.maximumf %while3A_476, %get3A_493 : vector<16xf32>
          %get3A_497 = arith.index_cast %rem3A_362 : i32 to index
          %get3A_498 = arith.index_cast %add3A_488 : i32 to index
          %get3A_499 = arith.constant 16 : index
          %get3A_500 = tpu.vector_load %arg8[%get3A_497, %get3A_498, %get3A_499] {strides = array<i32>} : memref<2x128x128xf32, #tpu.memory_space<vmem>>, vector<1x1x16xf32>,
          %get3A_501 = vector.shape_cast %get3A_500 : vector<1x1x16xf32> to vector<16xf32>
          %add3A_502 = arith.addf %while3A_461, %get3A_501 : vector<16xf32>
          %min3A_503 = arith.minimumf %while3A_469, %get3A_501 : vector<16xf32>
          %max3A_504 = arith.maximumf %while3A_477, %get3A_501 : vector<16xf32>
          %get3A_505 = arith.index_cast %rem3A_362 : i32 to index
          %get3A_506 = arith.index_cast %add3A_488 : i32 to index
          %get3A_507 = arith.constant 32 : index
          %get3A_508 = tpu.vector_load %arg8[%get3A_505, %get3A_506, %get3A_507] {strides = array<i32>} : memref<2x128x128xf32, #tpu.memory_space<vmem>>, vector<1x1x16xf32>,
          %get3A_509 = vector.shape_cast %get3A_508 : vector<1x1x16xf32> to vector<16xf32>
          %add3A_510 = arith.addf %while3A_462, %get3A_509 : vector<16xf32>
          %min3A_511 = arith.minimumf %while3A_470, %get3A_509 : vector<16xf32>
          %max3A_512 = arith.maximumf %while3A_478, %get3A_509 : vector<16xf32>
          %get3A_513 = arith.index_cast %rem3A_362 : i32 to index
          %get3A_514 = arith.index_cast %add3A_488 : i32 to index
          %get3A_515 = arith.constant 48 : index
          %get3A_516 = tpu.vector_load %arg8[%get3A_513, %get3A_514, %get3A_515] {strides = array<i32>} : memref<2x128x128xf32, #tpu.memory_space<vmem>>, vector<1x1x16xf32>,
          %get3A_517 = vector.shape_cast %get3A_516 : vector<1x1x16xf32> to vector<16xf32>
          %add3A_518 = arith.addf %while3A_463, %get3A_517 : vector<16xf32>
          %min3A_519 = arith.minimumf %while3A_471, %get3A_517 : vector<16xf32>
          %max3A_520 = arith.maximumf %while3A_479, %get3A_517 : vector<16xf32>
          %get3A_521 = arith.index_cast %rem3A_362 : i32 to index
          %get3A_522 = arith.index_cast %add3A_488 : i32 to index
          %get3A_523 = arith.constant 64 : index
          %get3A_524 = tpu.vector_load %arg8[%get3A_521, %get3A_522, %get3A_523] {strides = array<i32>} : memref<2x128x128xf32, #tpu.memory_space<vmem>>, vector<1x1x16xf32>,
          %get3A_525 = vector.shape_cast %get3A_524 : vector<1x1x16xf32> to vector<16xf32>
          %add3A_526 = arith.addf %while3A_464, %get3A_525 : vector<16xf32>
          %min3A_527 = arith.minimumf %while3A_472, %get3A_525 : vector<16xf32>
          %max3A_528 = arith.maximumf %while3A_480, %get3A_525 : vector<16xf32>
          %get3A_529 = arith.index_cast %rem3A_362 : i32 to index
          %get3A_530 = arith.index_cast %add3A_488 : i32 to index
          %get3A_531 = arith.constant 80 : index
          %get3A_532 = tpu.vector_load %arg8[%get3A_529, %get3A_530, %get3A_531] {strides = array<i32>} : memref<2x128x128xf32, #tpu.memory_space<vmem>>, vector<1x1x16xf32>,
          %get3A_533 = vector.shape_cast %get3A_532 : vector<1x1x16xf32> to vector<16xf32>
          %add3A_534 = arith.addf %while3A_465, %get3A_533 : vector<16xf32>
          %min3A_535 = arith.minimumf %while3A_473, %get3A_533 : vector<16xf32>
          %max3A_536 = arith.maximumf %while3A_481, %get3A_533 : vector<16xf32>
          %get3A_537 = arith.index_cast %rem3A_362 : i32 to index
          %get3A_538 = arith.index_cast %add3A_488 : i32 to index
          %get3A_539 = arith.constant 96 : index
          %get3A_540 = tpu.vector_load %arg8[%get3A_537, %get3A_538, %get3A_539] {strides = array<i32>} : memref<2x128x128xf32, #tpu.memory_space<vmem>>, vector<1x1x16xf32>,
          %get3A_541 = vector.shape_cast %get3A_540 : vector<1x1x16xf32> to vector<16xf32>
          %add3A_542 = arith.addf %while3A_466, %get3A_541 : vector<16xf32>
          %min3A_543 = arith.minimumf %while3A_474, %get3A_541 : vector<16xf32>
          %max3A_544 = arith.maximumf %while3A_482, %get3A_541 : vector<16xf32>
          %get3A_545 = arith.index_cast %rem3A_362 : i32 to index
          %get3A_546 = arith.index_cast %add3A_488 : i32 to index
          %get3A_547 = arith.constant 112 : index
          %get3A_548 = tpu.vector_load %arg8[%get3A_545, %get3A_546, %get3A_547] {strides = array<i32>} : memref<2x128x128xf32, #tpu.memory_space<vmem>>, vector<1x1x16xf32>,
          %get3A_549 = vector.shape_cast %get3A_548 : vector<1x1x16xf32> to vector<16xf32>
          %add3A_550 = arith.addf %while3A_467, %get3A_549 : vector<16xf32>
          %min3A_551 = arith.minimumf %while3A_475, %get3A_549 : vector<16xf32>
          %max3A_552 = arith.maximumf %while3A_483, %get3A_549 : vector<16xf32>
          %add3A_553 = arith.constant 1 : i32
          %add3A_554 = arith.addi %add3A_486, %add3A_553 : i32
          %get3A_555 = arith.index_cast %rem3A_362 : i32 to index
          %get3A_556 = arith.index_cast %add3A_554 : i32 to index
          %get3A_557 = arith.constant 0 : index
          %get3A_558 = tpu.vector_load %arg8[%get3A_555, %get3A_556, %get3A_557] {strides = array<i32>} : memref<2x128x128xf32, #tpu.memory_space<vmem>>, vector<1x1x16xf32>,
          %get3A_559 = vector.shape_cast %get3A_558 : vector<1x1x16xf32> to vector<16xf32>
          %add3A_560 = arith.addf %add3A_494, %get3A_559 : vector<16xf32>
          %min3A_561 = arith.minimumf %min3A_495, %get3A_559 : vector<16xf32>
          %max3A_562 = arith.maximumf %max3A_496, %get3A_559 : vector<16xf32>
          %get3A_563 = arith.index_cast %rem3A_362 : i32 to index
          %get3A_564 = arith.index_cast %add3A_554 : i32 to index
          %get3A_565 = arith.constant 16 : index
          %get3A_566 = tpu.vector_load %arg8[%get3A_563, %get3A_564, %get3A_565] {strides = array<i32>} : memref<2x128x128xf32, #tpu.memory_space<vmem>>, vector<1x1x16xf32>,
          %get3A_567 = vector.shape_cast %get3A_566 : vector<1x1x16xf32> to vector<16xf32>
          %add3A_568 = arith.addf %add3A_502, %get3A_567 : vector<16xf32>
          %min3A_569 = arith.minimumf %min3A_503, %get3A_567 : vector<16xf32>
          %max3A_570 = arith.maximumf %max3A_504, %get3A_567 : vector<16xf32>
          %get3A_571 = arith.index_cast %rem3A_362 : i32 to index
          %get3A_572 = arith.index_cast %add3A_554 : i32 to index
          %get3A_573 = arith.constant 32 : index
          %get3A_574 = tpu.vector_load %arg8[%get3A_571, %get3A_572, %get3A_573] {strides = array<i32>} : memref<2x128x128xf32, #tpu.memory_space<vmem>>, vector<1x1x16xf32>,
          %get3A_575 = vector.shape_cast %get3A_574 : vector<1x1x16xf32> to vector<16xf32>
          %add3A_576 = arith.addf %add3A_510, %get3A_575 : vector<16xf32>
          %min3A_577 = arith.minimumf %min3A_511, %get3A_575 : vector<16xf32>
          %max3A_578 = arith.maximumf %max3A_512, %get3A_575 : vector<16xf32>
          %get3A_579 = arith.index_cast %rem3A_362 : i32 to index
          %get3A_580 = arith.index_cast %add3A_554 : i32 to index
          %get3A_581 = arith.constant 48 : index
          %get3A_582 = tpu.vector_load %arg8[%get3A_579, %get3A_580, %get3A_581] {strides = array<i32>} : memref<2x128x128xf32, #tpu.memory_space<vmem>>, vector<1x1x16xf32>,
          %get3A_583 = vector.shape_cast %get3A_582 : vector<1x1x16xf32> to vector<16xf32>
          %add3A_584 = arith.addf %add3A_518, %get3A_583 : vector<16xf32>
          %min3A_585 = arith.minimumf %min3A_519, %get3A_583 : vector<16xf32>
          %max3A_586 = arith.maximumf %max3A_520, %get3A_583 : vector<16xf32>
          %get3A_587 = arith.index_cast %rem3A_362 : i32 to index
          %get3A_588 = arith.index_cast %add3A_554 : i32 to index
          %get3A_589 = arith.constant 64 : index
          %get3A_590 = tpu.vector_load %arg8[%get3A_587, %get3A_588, %get3A_589] {strides = array<i32>} : memref<2x128x128xf32, #tpu.memory_space<vmem>>, vector<1x1x16xf32>,
          %get3A_591 = vector.shape_cast %get3A_590 : vector<1x1x16xf32> to vector<16xf32>
          %add3A_592 = arith.addf %add3A_526, %get3A_591 : vector<16xf32>
          %min3A_593 = arith.minimumf %min3A_527, %get3A_591 : vector<16xf32>
          %max3A_594 = arith.maximumf %max3A_528, %get3A_591 : vector<16xf32>
          %get3A_595 = arith.index_cast %rem3A_362 : i32 to index
          %get3A_596 = arith.index_cast %add3A_554 : i32 to index
          %get3A_597 = arith.constant 80 : index
          %get3A_598 = tpu.vector_load %arg8[%get3A_595, %get3A_596, %get3A_597] {strides = array<i32>} : memref<2x128x128xf32, #tpu.memory_space<vmem>>, vector<1x1x16xf32>,
          %get3A_599 = vector.shape_cast %get3A_598 : vector<1x1x16xf32> to vector<16xf32>
          %add3A_600 = arith.addf %add3A_534, %get3A_599 : vector<16xf32>
          %min3A_601 = arith.minimumf %min3A_535, %get3A_599 : vector<16xf32>
          %max3A_602 = arith.maximumf %max3A_536, %get3A_599 : vector<16xf32>
          %get3A_603 = arith.index_cast %rem3A_362 : i32 to index
          %get3A_604 = arith.index_cast %add3A_554 : i32 to index
          %get3A_605 = arith.constant 96 : index
          %get3A_606 = tpu.vector_load %arg8[%get3A_603, %get3A_604, %get3A_605] {strides = array<i32>} : memref<2x128x128xf32, #tpu.memory_space<vmem>>, vector<1x1x16xf32>,
          %get3A_607 = vector.shape_cast %get3A_606 : vector<1x1x16xf32> to vector<16xf32>
          %add3A_608 = arith.addf %add3A_542, %get3A_607 : vector<16xf32>
          %min3A_609 = arith.minimumf %min3A_543, %get3A_607 : vector<16xf32>
          %max3A_610 = arith.maximumf %max3A_544, %get3A_607 : vector<16xf32>
          %get3A_611 = arith.index_cast %rem3A_362 : i32 to index
          %get3A_612 = arith.index_cast %add3A_554 : i32 to index
          %get3A_613 = arith.constant 112 : index
          %get3A_614 = tpu.vector_load %arg8[%get3A_611, %get3A_612, %get3A_613] {strides = array<i32>} : memref<2x128x128xf32, #tpu.memory_space<vmem>>, vector<1x1x16xf32>,
          %get3A_615 = vector.shape_cast %get3A_614 : vector<1x1x16xf32> to vector<16xf32>
          %add3A_616 = arith.addf %add3A_550, %get3A_615 : vector<16xf32>
          %min3A_617 = arith.minimumf %min3A_551, %get3A_615 : vector<16xf32>
          %max3A_618 = arith.maximumf %max3A_552, %get3A_615 : vector<16xf32>
          scf.yield %add3A_560, %add3A_568, %add3A_576, %add3A_584, %add3A_592, %add3A_600, %add3A_608, %add3A_616, %min3A_561, %min3A_569, %min3A_577, %min3A_585, %min3A_593, %min3A_601, %min3A_609, %min3A_617, %max3A_562, %max3A_570, %max3A_578, %max3A_586, %max3A_594, %max3A_602, %max3A_610, %max3A_618 : vector<16xf32>, vector<16xf32>, vector<16xf32>, vector<16xf32>, vector<16xf32>, vector<16xf32>, vector<16xf32>, vector<16xf32>, vector<16xf32>, vector<16xf32>, vector<16xf32>, vector<16xf32>, vector<16xf32>, vector<16xf32>, vector<16xf32>, vector<16xf32>, vector<16xf32>, vector<16xf32>, vector<16xf32>, vector<16xf32>, vector<16xf32>, vector<16xf32>, vector<16xf32>, vector<16xf32>
        }
        %while3A_444 = arith.constant 1 : i32
        %while3A_445:24 = scf.for %while3A_459 = %while3A_441 to %while3A_437 step %while3A_444 iter_args(%while3A_460 = %while3A_443#0, %while3A_461 = %while3A_443#1, %while3A_462 = %while3A_443#2, %while3A_463 = %while3A_443#3, %while3A_464 = %while3A_443#4, %while3A_465 = %while3A_443#5, %while3A_466 = %while3A_443#6, %while3A_467 = %while3A_443#7, %while3A_468 = %while3A_443#8, %while3A_469 = %while3A_443#9, %while3A_470 = %while3A_443#10, %while3A_471 = %while3A_443#11, %while3A_472 = %while3A_443#12, %while3A_473 = %while3A_443#13, %while3A_474 = %while3A_443#14, %while3A_475 = %while3A_443#15, %while3A_476 = %while3A_443#16, %while3A_477 = %while3A_443#17, %while3A_478 = %while3A_443#18, %while3A_479 = %while3A_443#19, %while3A_480 = %while3A_443#20, %while3A_481 = %while3A_443#21, %while3A_482 = %while3A_443#22, %while3A_483 = %while3A_443#23) -> (vector<16xf32>, vector<16xf32>, vector<16xf32>, vector<16xf32>, vector<16xf32>, vector<16xf32>, vector<16xf32>, vector<16xf32>, vector<16xf32>, vector<16xf32>, vector<16xf32>, vector<16xf32>, vector<16xf32>, vector<16xf32>, vector<16xf32>, vector<16xf32>, vector<16xf32>, vector<16xf32>, vector<16xf32>, vector<16xf32>, vector<16xf32>, vector<16xf32>, vector<16xf32>, vector<16xf32>)  : i32 {
          %mul3A_484 = arith.constant 2 : i32
          %mul3A_485 = arith.muli %while3A_459, %mul3A_484 : i32
          %add3A_486 = arith.addi %max3A_407, %mul3A_485 : i32
          %add3A_487 = arith.constant 0 : i32
          %add3A_488 = arith.addi %add3A_486, %add3A_487 : i32
          %get3A_489 = arith.index_cast %rem3A_362 : i32 to index
          %get3A_490 = arith.index_cast %add3A_488 : i32 to index
          %get3A_491 = arith.constant 0 : index
          %get3A_492 = tpu.vector_load %arg8[%get3A_489, %get3A_490, %get3A_491] {strides = array<i32>} : memref<2x128x128xf32, #tpu.memory_space<vmem>>, vector<1x1x16xf32>,
          %get3A_493 = vector.shape_cast %get3A_492 : vector<1x1x16xf32> to vector<16xf32>
          %add3A_494 = arith.addf %while3A_460, %get3A_493 : vector<16xf32>
          %min3A_495 = arith.minimumf %while3A_468, %get3A_493 : vector<16xf32>
          %max3A_496 = arith.maximumf %while3A_476, %get3A_493 : vector<16xf32>
          %get3A_497 = arith.index_cast %rem3A_362 : i32 to index
          %get3A_498 = arith.index_cast %add3A_488 : i32 to index
          %get3A_499 = arith.constant 16 : index
          %get3A_500 = tpu.vector_load %arg8[%get3A_497, %get3A_498, %get3A_499] {strides = array<i32>} : memref<2x128x128xf32, #tpu.memory_space<vmem>>, vector<1x1x16xf32>,
          %get3A_501 = vector.shape_cast %get3A_500 : vector<1x1x16xf32> to vector<16xf32>
          %add3A_502 = arith.addf %while3A_461, %get3A_501 : vector<16xf32>
          %min3A_503 = arith.minimumf %while3A_469, %get3A_501 : vector<16xf32>
          %max3A_504 = arith.maximumf %while3A_477, %get3A_501 : vector<16xf32>
          %get3A_505 = arith.index_cast %rem3A_362 : i32 to index
          %get3A_506 = arith.index_cast %add3A_488 : i32 to index
          %get3A_507 = arith.constant 32 : index
          %get3A_508 = tpu.vector_load %arg8[%get3A_505, %get3A_506, %get3A_507] {strides = array<i32>} : memref<2x128x128xf32, #tpu.memory_space<vmem>>, vector<1x1x16xf32>,
          %get3A_509 = vector.shape_cast %get3A_508 : vector<1x1x16xf32> to vector<16xf32>
          %add3A_510 = arith.addf %while3A_462, %get3A_509 : vector<16xf32>
          %min3A_511 = arith.minimumf %while3A_470, %get3A_509 : vector<16xf32>
          %max3A_512 = arith.maximumf %while3A_478, %get3A_509 : vector<16xf32>
          %get3A_513 = arith.index_cast %rem3A_362 : i32 to index
          %get3A_514 = arith.index_cast %add3A_488 : i32 to index
          %get3A_515 = arith.constant 48 : index
          %get3A_516 = tpu.vector_load %arg8[%get3A_513, %get3A_514, %get3A_515] {strides = array<i32>} : memref<2x128x128xf32, #tpu.memory_space<vmem>>, vector<1x1x16xf32>,
          %get3A_517 = vector.shape_cast %get3A_516 : vector<1x1x16xf32> to vector<16xf32>
          %add3A_518 = arith.addf %while3A_463, %get3A_517 : vector<16xf32>
          %min3A_519 = arith.minimumf %while3A_471, %get3A_517 : vector<16xf32>
          %max3A_520 = arith.maximumf %while3A_479, %get3A_517 : vector<16xf32>
          %get3A_521 = arith.index_cast %rem3A_362 : i32 to index
          %get3A_522 = arith.index_cast %add3A_488 : i32 to index
          %get3A_523 = arith.constant 64 : index
          %get3A_524 = tpu.vector_load %arg8[%get3A_521, %get3A_522, %get3A_523] {strides = array<i32>} : memref<2x128x128xf32, #tpu.memory_space<vmem>>, vector<1x1x16xf32>,
          %get3A_525 = vector.shape_cast %get3A_524 : vector<1x1x16xf32> to vector<16xf32>
          %add3A_526 = arith.addf %while3A_464, %get3A_525 : vector<16xf32>
          %min3A_527 = arith.minimumf %while3A_472, %get3A_525 : vector<16xf32>
          %max3A_528 = arith.maximumf %while3A_480, %get3A_525 : vector<16xf32>
          %get3A_529 = arith.index_cast %rem3A_362 : i32 to index
          %get3A_530 = arith.index_cast %add3A_488 : i32 to index
          %get3A_531 = arith.constant 80 : index
          %get3A_532 = tpu.vector_load %arg8[%get3A_529, %get3A_530, %get3A_531] {strides = array<i32>} : memref<2x128x128xf32, #tpu.memory_space<vmem>>, vector<1x1x16xf32>,
          %get3A_533 = vector.shape_cast %get3A_532 : vector<1x1x16xf32> to vector<16xf32>
          %add3A_534 = arith.addf %while3A_465, %get3A_533 : vector<16xf32>
          %min3A_535 = arith.minimumf %while3A_473, %get3A_533 : vector<16xf32>
          %max3A_536 = arith.maximumf %while3A_481, %get3A_533 : vector<16xf32>
          %get3A_537 = arith.index_cast %rem3A_362 : i32 to index
          %get3A_538 = arith.index_cast %add3A_488 : i32 to index
          %get3A_539 = arith.constant 96 : index
          %get3A_540 = tpu.vector_load %arg8[%get3A_537, %get3A_538, %get3A_539] {strides = array<i32>} : memref<2x128x128xf32, #tpu.memory_space<vmem>>, vector<1x1x16xf32>,
          %get3A_541 = vector.shape_cast %get3A_540 : vector<1x1x16xf32> to vector<16xf32>
          %add3A_542 = arith.addf %while3A_466, %get3A_541 : vector<16xf32>
          %min3A_543 = arith.minimumf %while3A_474, %get3A_541 : vector<16xf32>
          %max3A_544 = arith.maximumf %while3A_482, %get3A_541 : vector<16xf32>
          %get3A_545 = arith.index_cast %rem3A_362 : i32 to index
          %get3A_546 = arith.index_cast %add3A_488 : i32 to index
          %get3A_547 = arith.constant 112 : index
          %get3A_548 = tpu.vector_load %arg8[%get3A_545, %get3A_546, %get3A_547] {strides = array<i32>} : memref<2x128x128xf32, #tpu.memory_space<vmem>>, vector<1x1x16xf32>,
          %get3A_549 = vector.shape_cast %get3A_548 : vector<1x1x16xf32> to vector<16xf32>
          %add3A_550 = arith.addf %while3A_467, %get3A_549 : vector<16xf32>
          %min3A_551 = arith.minimumf %while3A_475, %get3A_549 : vector<16xf32>
          %max3A_552 = arith.maximumf %while3A_483, %get3A_549 : vector<16xf32>
          %add3A_553 = arith.constant 1 : i32
          %add3A_554 = arith.addi %add3A_486, %add3A_553 : i32
          %get3A_555 = arith.index_cast %rem3A_362 : i32 to index
          %get3A_556 = arith.index_cast %add3A_554 : i32 to index
          %get3A_557 = arith.constant 0 : index
          %get3A_558 = tpu.vector_load %arg8[%get3A_555, %get3A_556, %get3A_557] {strides = array<i32>} : memref<2x128x128xf32, #tpu.memory_space<vmem>>, vector<1x1x16xf32>,
          %get3A_559 = vector.shape_cast %get3A_558 : vector<1x1x16xf32> to vector<16xf32>
          %add3A_560 = arith.addf %add3A_494, %get3A_559 : vector<16xf32>
          %min3A_561 = arith.minimumf %min3A_495, %get3A_559 : vector<16xf32>
          %max3A_562 = arith.maximumf %max3A_496, %get3A_559 : vector<16xf32>
          %get3A_563 = arith.index_cast %rem3A_362 : i32 to index
          %get3A_564 = arith.index_cast %add3A_554 : i32 to index
          %get3A_565 = arith.constant 16 : index
          %get3A_566 = tpu.vector_load %arg8[%get3A_563, %get3A_564, %get3A_565] {strides = array<i32>} : memref<2x128x128xf32, #tpu.memory_space<vmem>>, vector<1x1x16xf32>,
          %get3A_567 = vector.shape_cast %get3A_566 : vector<1x1x16xf32> to vector<16xf32>
          %add3A_568 = arith.addf %add3A_502, %get3A_567 : vector<16xf32>
          %min3A_569 = arith.minimumf %min3A_503, %get3A_567 : vector<16xf32>
          %max3A_570 = arith.maximumf %max3A_504, %get3A_567 : vector<16xf32>
          %get3A_571 = arith.index_cast %rem3A_362 : i32 to index
          %get3A_572 = arith.index_cast %add3A_554 : i32 to index
          %get3A_573 = arith.constant 32 : index
          %get3A_574 = tpu.vector_load %arg8[%get3A_571, %get3A_572, %get3A_573] {strides = array<i32>} : memref<2x128x128xf32, #tpu.memory_space<vmem>>, vector<1x1x16xf32>,
          %get3A_575 = vector.shape_cast %get3A_574 : vector<1x1x16xf32> to vector<16xf32>
          %add3A_576 = arith.addf %add3A_510, %get3A_575 : vector<16xf32>
          %min3A_577 = arith.minimumf %min3A_511, %get3A_575 : vector<16xf32>
          %max3A_578 = arith.maximumf %max3A_512, %get3A_575 : vector<16xf32>
          %get3A_579 = arith.index_cast %rem3A_362 : i32 to index
          %get3A_580 = arith.index_cast %add3A_554 : i32 to index
          %get3A_581 = arith.constant 48 : index
          %get3A_582 = tpu.vector_load %arg8[%get3A_579, %get3A_580, %get3A_581] {strides = array<i32>} : memref<2x128x128xf32, #tpu.memory_space<vmem>>, vector<1x1x16xf32>,
          %get3A_583 = vector.shape_cast %get3A_582 : vector<1x1x16xf32> to vector<16xf32>
          %add3A_584 = arith.addf %add3A_518, %get3A_583 : vector<16xf32>
          %min3A_585 = arith.minimumf %min3A_519, %get3A_583 : vector<16xf32>
          %max3A_586 = arith.maximumf %max3A_520, %get3A_583 : vector<16xf32>
          %get3A_587 = arith.index_cast %rem3A_362 : i32 to index
          %get3A_588 = arith.index_cast %add3A_554 : i32 to index
          %get3A_589 = arith.constant 64 : index
          %get3A_590 = tpu.vector_load %arg8[%get3A_587, %get3A_588, %get3A_589] {strides = array<i32>} : memref<2x128x128xf32, #tpu.memory_space<vmem>>, vector<1x1x16xf32>,
          %get3A_591 = vector.shape_cast %get3A_590 : vector<1x1x16xf32> to vector<16xf32>
          %add3A_592 = arith.addf %add3A_526, %get3A_591 : vector<16xf32>
          %min3A_593 = arith.minimumf %min3A_527, %get3A_591 : vector<16xf32>
          %max3A_594 = arith.maximumf %max3A_528, %get3A_591 : vector<16xf32>
          %get3A_595 = arith.index_cast %rem3A_362 : i32 to index
          %get3A_596 = arith.index_cast %add3A_554 : i32 to index
          %get3A_597 = arith.constant 80 : index
          %get3A_598 = tpu.vector_load %arg8[%get3A_595, %get3A_596, %get3A_597] {strides = array<i32>} : memref<2x128x128xf32, #tpu.memory_space<vmem>>, vector<1x1x16xf32>,
          %get3A_599 = vector.shape_cast %get3A_598 : vector<1x1x16xf32> to vector<16xf32>
          %add3A_600 = arith.addf %add3A_534, %get3A_599 : vector<16xf32>
          %min3A_601 = arith.minimumf %min3A_535, %get3A_599 : vector<16xf32>
          %max3A_602 = arith.maximumf %max3A_536, %get3A_599 : vector<16xf32>
          %get3A_603 = arith.index_cast %rem3A_362 : i32 to index
          %get3A_604 = arith.index_cast %add3A_554 : i32 to index
          %get3A_605 = arith.constant 96 : index
          %get3A_606 = tpu.vector_load %arg8[%get3A_603, %get3A_604, %get3A_605] {strides = array<i32>} : memref<2x128x128xf32, #tpu.memory_space<vmem>>, vector<1x1x16xf32>,
          %get3A_607 = vector.shape_cast %get3A_606 : vector<1x1x16xf32> to vector<16xf32>
          %add3A_608 = arith.addf %add3A_542, %get3A_607 : vector<16xf32>
          %min3A_609 = arith.minimumf %min3A_543, %get3A_607 : vector<16xf32>
          %max3A_610 = arith.maximumf %max3A_544, %get3A_607 : vector<16xf32>
          %get3A_611 = arith.index_cast %rem3A_362 : i32 to index
          %get3A_612 = arith.index_cast %add3A_554 : i32 to index
          %get3A_613 = arith.constant 112 : index
          %get3A_614 = tpu.vector_load %arg8[%get3A_611, %get3A_612, %get3A_613] {strides = array<i32>} : memref<2x128x128xf32, #tpu.memory_space<vmem>>, vector<1x1x16xf32>,
          %get3A_615 = vector.shape_cast %get3A_614 : vector<1x1x16xf32> to vector<16xf32>
          %add3A_616 = arith.addf %add3A_550, %get3A_615 : vector<16xf32>
          %min3A_617 = arith.minimumf %min3A_551, %get3A_615 : vector<16xf32>
          %max3A_618 = arith.maximumf %max3A_552, %get3A_615 : vector<16xf32>
          scf.yield %add3A_560, %add3A_568, %add3A_576, %add3A_584, %add3A_592, %add3A_600, %add3A_608, %add3A_616, %min3A_561, %min3A_569, %min3A_577, %min3A_585, %min3A_593, %min3A_601, %min3A_609, %min3A_617, %max3A_562, %max3A_570, %max3A_578, %max3A_586, %max3A_594, %max3A_602, %max3A_610, %max3A_618 : vector<16xf32>, vector<16xf32>, vector<16xf32>, vector<16xf32>, vector<16xf32>, vector<16xf32>, vector<16xf32>, vector<16xf32>, vector<16xf32>, vector<16xf32>, vector<16xf32>, vector<16xf32>, vector<16xf32>, vector<16xf32>, vector<16xf32>, vector<16xf32>, vector<16xf32>, vector<16xf32>, vector<16xf32>, vector<16xf32>, vector<16xf32>, vector<16xf32>, vector<16xf32>, vector<16xf32>
        }
        %mul3A_446 = arith.constant 2 : i32
        %mul3A_447 = arith.muli %select_n3A_434, %mul3A_446 : i32
        %add3A_448 = arith.addi %max3A_407, %mul3A_447 : i32
        %while3A_449 = arith.subi %min3A_409, %add3A_448 : i32
        %while3A_450 = arith.addi %add3A_448, %while3A_449 : i32
        %while3A_451 = arith.constant 1 : i32
        %while3A_452 = arith.divsi %while3A_449, %while3A_451 : i32
        %while3A_453 = arith.muli %while3A_452, %while3A_451 : i32
        %while3A_454 = arith.addi %add3A_448, %while3A_453 : i32
        %while3A_455 = arith.constant 1 : i32
        %while3A_456:24 = scf.for %while3A_459 = %add3A_448 to %while3A_454 step %while3A_455 iter_args(%while3A_460 = %while3A_445#0, %while3A_461 = %while3A_445#1, %while3A_462 = %while3A_445#2, %while3A_463 = %while3A_445#3, %while3A_464 = %while3A_445#4, %while3A_465 = %while3A_445#5, %while3A_466 = %while3A_445#6, %while3A_467 = %while3A_445#7, %while3A_468 = %while3A_445#8, %while3A_469 = %while3A_445#9, %while3A_470 = %while3A_445#10, %while3A_471 = %while3A_445#11, %while3A_472 = %while3A_445#12, %while3A_473 = %while3A_445#13, %while3A_474 = %while3A_445#14, %while3A_475 = %while3A_445#15, %while3A_476 = %while3A_445#16, %while3A_477 = %while3A_445#17, %while3A_478 = %while3A_445#18, %while3A_479 = %while3A_445#19, %while3A_480 = %while3A_445#20, %while3A_481 = %while3A_445#21, %while3A_482 = %while3A_445#22, %while3A_483 = %while3A_445#23) -> (vector<16xf32>, vector<16xf32>, vector<16xf32>, vector<16xf32>, vector<16xf32>, vector<16xf32>, vector<16xf32>, vector<16xf32>, vector<16xf32>, vector<16xf32>, vector<16xf32>, vector<16xf32>, vector<16xf32>, vector<16xf32>, vector<16xf32>, vector<16xf32>, vector<16xf32>, vector<16xf32>, vector<16xf32>, vector<16xf32>, vector<16xf32>, vector<16xf32>, vector<16xf32>, vector<16xf32>)  : i32 {
          %get3A_484 = arith.index_cast %rem3A_362 : i32 to index
          %get3A_485 = arith.index_cast %while3A_459 : i32 to index
          %get3A_486 = arith.constant 0 : index
          %get3A_487 = tpu.vector_load %arg8[%get3A_484, %get3A_485, %get3A_486] {strides = array<i32>} : memref<2x128x128xf32, #tpu.memory_space<vmem>>, vector<1x1x16xf32>,
          %get3A_488 = vector.shape_cast %get3A_487 : vector<1x1x16xf32> to vector<16xf32>
          %add3A_489 = arith.addf %while3A_460, %get3A_488 : vector<16xf32>
          %min3A_490 = arith.minimumf %while3A_468, %get3A_488 : vector<16xf32>
          %max3A_491 = arith.maximumf %while3A_476, %get3A_488 : vector<16xf32>
          %get3A_492 = arith.index_cast %rem3A_362 : i32 to index
          %get3A_493 = arith.index_cast %while3A_459 : i32 to index
          %get3A_494 = arith.constant 16 : index
          %get3A_495 = tpu.vector_load %arg8[%get3A_492, %get3A_493, %get3A_494] {strides = array<i32>} : memref<2x128x128xf32, #tpu.memory_space<vmem>>, vector<1x1x16xf32>,
          %get3A_496 = vector.shape_cast %get3A_495 : vector<1x1x16xf32> to vector<16xf32>
          %add3A_497 = arith.addf %while3A_461, %get3A_496 : vector<16xf32>
          %min3A_498 = arith.minimumf %while3A_469, %get3A_496 : vector<16xf32>
          %max3A_499 = arith.maximumf %while3A_477, %get3A_496 : vector<16xf32>
          %get3A_500 = arith.index_cast %rem3A_362 : i32 to index
          %get3A_501 = arith.index_cast %while3A_459 : i32 to index
          %get3A_502 = arith.constant 32 : index
          %get3A_503 = tpu.vector_load %arg8[%get3A_500, %get3A_501, %get3A_502] {strides = array<i32>} : memref<2x128x128xf32, #tpu.memory_space<vmem>>, vector<1x1x16xf32>,
          %get3A_504 = vector.shape_cast %get3A_503 : vector<1x1x16xf32> to vector<16xf32>
          %add3A_505 = arith.addf %while3A_462, %get3A_504 : vector<16xf32>
          %min3A_506 = arith.minimumf %while3A_470, %get3A_504 : vector<16xf32>
          %max3A_507 = arith.maximumf %while3A_478, %get3A_504 : vector<16xf32>
          %get3A_508 = arith.index_cast %rem3A_362 : i32 to index
          %get3A_509 = arith.index_cast %while3A_459 : i32 to index
          %get3A_510 = arith.constant 48 : index
          %get3A_511 = tpu.vector_load %arg8[%get3A_508, %get3A_509, %get3A_510] {strides = array<i32>} : memref<2x128x128xf32, #tpu.memory_space<vmem>>, vector<1x1x16xf32>,
          %get3A_512 = vector.shape_cast %get3A_511 : vector<1x1x16xf32> to vector<16xf32>
          %add3A_513 = arith.addf %while3A_463, %get3A_512 : vector<16xf32>
          %min3A_514 = arith.minimumf %while3A_471, %get3A_512 : vector<16xf32>
          %max3A_515 = arith.maximumf %while3A_479, %get3A_512 : vector<16xf32>
          %get3A_516 = arith.index_cast %rem3A_362 : i32 to index
          %get3A_517 = arith.index_cast %while3A_459 : i32 to index
          %get3A_518 = arith.constant 64 : index
          %get3A_519 = tpu.vector_load %arg8[%get3A_516, %get3A_517, %get3A_518] {strides = array<i32>} : memref<2x128x128xf32, #tpu.memory_space<vmem>>, vector<1x1x16xf32>,
          %get3A_520 = vector.shape_cast %get3A_519 : vector<1x1x16xf32> to vector<16xf32>
          %add3A_521 = arith.addf %while3A_464, %get3A_520 : vector<16xf32>
          %min3A_522 = arith.minimumf %while3A_472, %get3A_520 : vector<16xf32>
          %max3A_523 = arith.maximumf %while3A_480, %get3A_520 : vector<16xf32>
          %get3A_524 = arith.index_cast %rem3A_362 : i32 to index
          %get3A_525 = arith.index_cast %while3A_459 : i32 to index
          %get3A_526 = arith.constant 80 : index
          %get3A_527 = tpu.vector_load %arg8[%get3A_524, %get3A_525, %get3A_526] {strides = array<i32>} : memref<2x128x128xf32, #tpu.memory_space<vmem>>, vector<1x1x16xf32>,
          %get3A_528 = vector.shape_cast %get3A_527 : vector<1x1x16xf32> to vector<16xf32>
          %add3A_529 = arith.addf %while3A_465, %get3A_528 : vector<16xf32>
          %min3A_530 = arith.minimumf %while3A_473, %get3A_528 : vector<16xf32>
          %max3A_531 = arith.maximumf %while3A_481, %get3A_528 : vector<16xf32>
          %get3A_532 = arith.index_cast %rem3A_362 : i32 to index
          %get3A_533 = arith.index_cast %while3A_459 : i32 to index
          %get3A_534 = arith.constant 96 : index
          %get3A_535 = tpu.vector_load %arg8[%get3A_532, %get3A_533, %get3A_534] {strides = array<i32>} : memref<2x128x128xf32, #tpu.memory_space<vmem>>, vector<1x1x16xf32>,
          %get3A_536 = vector.shape_cast %get3A_535 : vector<1x1x16xf32> to vector<16xf32>
          %add3A_537 = arith.addf %while3A_466, %get3A_536 : vector<16xf32>
          %min3A_538 = arith.minimumf %while3A_474, %get3A_536 : vector<16xf32>
          %max3A_539 = arith.maximumf %while3A_482, %get3A_536 : vector<16xf32>
          %get3A_540 = arith.index_cast %rem3A_362 : i32 to index
          %get3A_541 = arith.index_cast %while3A_459 : i32 to index
          %get3A_542 = arith.constant 112 : index
          %get3A_543 = tpu.vector_load %arg8[%get3A_540, %get3A_541, %get3A_542] {strides = array<i32>} : memref<2x128x128xf32, #tpu.memory_space<vmem>>, vector<1x1x16xf32>,
          %get3A_544 = vector.shape_cast %get3A_543 : vector<1x1x16xf32> to vector<16xf32>
          %add3A_545 = arith.addf %while3A_467, %get3A_544 : vector<16xf32>
          %min3A_546 = arith.minimumf %while3A_475, %get3A_544 : vector<16xf32>
          %max3A_547 = arith.maximumf %while3A_483, %get3A_544 : vector<16xf32>
          scf.yield %add3A_489, %add3A_497, %add3A_505, %add3A_513, %add3A_521, %add3A_529, %add3A_537, %add3A_545, %min3A_490, %min3A_498, %min3A_506, %min3A_514, %min3A_522, %min3A_530, %min3A_538, %min3A_546, %max3A_491, %max3A_499, %max3A_507, %max3A_515, %max3A_523, %max3A_531, %max3A_539, %max3A_547 : vector<16xf32>, vector<16xf32>, vector<16xf32>, vector<16xf32>, vector<16xf32>, vector<16xf32>, vector<16xf32>, vector<16xf32>, vector<16xf32>, vector<16xf32>, vector<16xf32>, vector<16xf32>, vector<16xf32>, vector<16xf32>, vector<16xf32>, vector<16xf32>, vector<16xf32>, vector<16xf32>, vector<16xf32>, vector<16xf32>, vector<16xf32>, vector<16xf32>, vector<16xf32>, vector<16xf32>
        }
        %while3A_457 = arith.constant 1 : i32
        %while3A_458:24 = scf.for %while3A_459 = %while3A_454 to %while3A_450 step %while3A_457 iter_args(%while3A_460 = %while3A_456#0, %while3A_461 = %while3A_456#1, %while3A_462 = %while3A_456#2, %while3A_463 = %while3A_456#3, %while3A_464 = %while3A_456#4, %while3A_465 = %while3A_456#5, %while3A_466 = %while3A_456#6, %while3A_467 = %while3A_456#7, %while3A_468 = %while3A_456#8, %while3A_469 = %while3A_456#9, %while3A_470 = %while3A_456#10, %while3A_471 = %while3A_456#11, %while3A_472 = %while3A_456#12, %while3A_473 = %while3A_456#13, %while3A_474 = %while3A_456#14, %while3A_475 = %while3A_456#15, %while3A_476 = %while3A_456#16, %while3A_477 = %while3A_456#17, %while3A_478 = %while3A_456#18, %while3A_479 = %while3A_456#19, %while3A_480 = %while3A_456#20, %while3A_481 = %while3A_456#21, %while3A_482 = %while3A_456#22, %while3A_483 = %while3A_456#23) -> (vector<16xf32>, vector<16xf32>, vector<16xf32>, vector<16xf32>, vector<16xf32>, vector<16xf32>, vector<16xf32>, vector<16xf32>, vector<16xf32>, vector<16xf32>, vector<16xf32>, vector<16xf32>, vector<16xf32>, vector<16xf32>, vector<16xf32>, vector<16xf32>, vector<16xf32>, vector<16xf32>, vector<16xf32>, vector<16xf32>, vector<16xf32>, vector<16xf32>, vector<16xf32>, vector<16xf32>)  : i32 {
          %get3A_484 = arith.index_cast %rem3A_362 : i32 to index
          %get3A_485 = arith.index_cast %while3A_459 : i32 to index
          %get3A_486 = arith.constant 0 : index
          %get3A_487 = tpu.vector_load %arg8[%get3A_484, %get3A_485, %get3A_486] {strides = array<i32>} : memref<2x128x128xf32, #tpu.memory_space<vmem>>, vector<1x1x16xf32>,
          %get3A_488 = vector.shape_cast %get3A_487 : vector<1x1x16xf32> to vector<16xf32>
          %add3A_489 = arith.addf %while3A_460, %get3A_488 : vector<16xf32>
          %min3A_490 = arith.minimumf %while3A_468, %get3A_488 : vector<16xf32>
          %max3A_491 = arith.maximumf %while3A_476, %get3A_488 : vector<16xf32>
          %get3A_492 = arith.index_cast %rem3A_362 : i32 to index
          %get3A_493 = arith.index_cast %while3A_459 : i32 to index
          %get3A_494 = arith.constant 16 : index
          %get3A_495 = tpu.vector_load %arg8[%get3A_492, %get3A_493, %get3A_494] {strides = array<i32>} : memref<2x128x128xf32, #tpu.memory_space<vmem>>, vector<1x1x16xf32>,
          %get3A_496 = vector.shape_cast %get3A_495 : vector<1x1x16xf32> to vector<16xf32>
          %add3A_497 = arith.addf %while3A_461, %get3A_496 : vector<16xf32>
          %min3A_498 = arith.minimumf %while3A_469, %get3A_496 : vector<16xf32>
          %max3A_499 = arith.maximumf %while3A_477, %get3A_496 : vector<16xf32>
          %get3A_500 = arith.index_cast %rem3A_362 : i32 to index
          %get3A_501 = arith.index_cast %while3A_459 : i32 to index
          %get3A_502 = arith.constant 32 : index
          %get3A_503 = tpu.vector_load %arg8[%get3A_500, %get3A_501, %get3A_502] {strides = array<i32>} : memref<2x128x128xf32, #tpu.memory_space<vmem>>, vector<1x1x16xf32>,
          %get3A_504 = vector.shape_cast %get3A_503 : vector<1x1x16xf32> to vector<16xf32>
          %add3A_505 = arith.addf %while3A_462, %get3A_504 : vector<16xf32>
          %min3A_506 = arith.minimumf %while3A_470, %get3A_504 : vector<16xf32>
          %max3A_507 = arith.maximumf %while3A_478, %get3A_504 : vector<16xf32>
          %get3A_508 = arith.index_cast %rem3A_362 : i32 to index
          %get3A_509 = arith.index_cast %while3A_459 : i32 to index
          %get3A_510 = arith.constant 48 : index
          %get3A_511 = tpu.vector_load %arg8[%get3A_508, %get3A_509, %get3A_510] {strides = array<i32>} : memref<2x128x128xf32, #tpu.memory_space<vmem>>, vector<1x1x16xf32>,
          %get3A_512 = vector.shape_cast %get3A_511 : vector<1x1x16xf32> to vector<16xf32>
          %add3A_513 = arith.addf %while3A_463, %get3A_512 : vector<16xf32>
          %min3A_514 = arith.minimumf %while3A_471, %get3A_512 : vector<16xf32>
          %max3A_515 = arith.maximumf %while3A_479, %get3A_512 : vector<16xf32>
          %get3A_516 = arith.index_cast %rem3A_362 : i32 to index
          %get3A_517 = arith.index_cast %while3A_459 : i32 to index
          %get3A_518 = arith.constant 64 : index
          %get3A_519 = tpu.vector_load %arg8[%get3A_516, %get3A_517, %get3A_518] {strides = array<i32>} : memref<2x128x128xf32, #tpu.memory_space<vmem>>, vector<1x1x16xf32>,
          %get3A_520 = vector.shape_cast %get3A_519 : vector<1x1x16xf32> to vector<16xf32>
          %add3A_521 = arith.addf %while3A_464, %get3A_520 : vector<16xf32>
          %min3A_522 = arith.minimumf %while3A_472, %get3A_520 : vector<16xf32>
          %max3A_523 = arith.maximumf %while3A_480, %get3A_520 : vector<16xf32>
          %get3A_524 = arith.index_cast %rem3A_362 : i32 to index
          %get3A_525 = arith.index_cast %while3A_459 : i32 to index
          %get3A_526 = arith.constant 80 : index
          %get3A_527 = tpu.vector_load %arg8[%get3A_524, %get3A_525, %get3A_526] {strides = array<i32>} : memref<2x128x128xf32, #tpu.memory_space<vmem>>, vector<1x1x16xf32>,
          %get3A_528 = vector.shape_cast %get3A_527 : vector<1x1x16xf32> to vector<16xf32>
          %add3A_529 = arith.addf %while3A_465, %get3A_528 : vector<16xf32>
          %min3A_530 = arith.minimumf %while3A_473, %get3A_528 : vector<16xf32>
          %max3A_531 = arith.maximumf %while3A_481, %get3A_528 : vector<16xf32>
          %get3A_532 = arith.index_cast %rem3A_362 : i32 to index
          %get3A_533 = arith.index_cast %while3A_459 : i32 to index
          %get3A_534 = arith.constant 96 : index
          %get3A_535 = tpu.vector_load %arg8[%get3A_532, %get3A_533, %get3A_534] {strides = array<i32>} : memref<2x128x128xf32, #tpu.memory_space<vmem>>, vector<1x1x16xf32>,
          %get3A_536 = vector.shape_cast %get3A_535 : vector<1x1x16xf32> to vector<16xf32>
          %add3A_537 = arith.addf %while3A_466, %get3A_536 : vector<16xf32>
          %min3A_538 = arith.minimumf %while3A_474, %get3A_536 : vector<16xf32>
          %max3A_539 = arith.maximumf %while3A_482, %get3A_536 : vector<16xf32>
          %get3A_540 = arith.index_cast %rem3A_362 : i32 to index
          %get3A_541 = arith.index_cast %while3A_459 : i32 to index
          %get3A_542 = arith.constant 112 : index
          %get3A_543 = tpu.vector_load %arg8[%get3A_540, %get3A_541, %get3A_542] {strides = array<i32>} : memref<2x128x128xf32, #tpu.memory_space<vmem>>, vector<1x1x16xf32>,
          %get3A_544 = vector.shape_cast %get3A_543 : vector<1x1x16xf32> to vector<16xf32>
          %add3A_545 = arith.addf %while3A_467, %get3A_544 : vector<16xf32>
          %min3A_546 = arith.minimumf %while3A_475, %get3A_544 : vector<16xf32>
          %max3A_547 = arith.maximumf %while3A_483, %get3A_544 : vector<16xf32>
          scf.yield %add3A_489, %add3A_497, %add3A_505, %add3A_513, %add3A_521, %add3A_529, %add3A_537, %add3A_545, %min3A_490, %min3A_498, %min3A_506, %min3A_514, %min3A_522, %min3A_530, %min3A_538, %min3A_546, %max3A_491, %max3A_499, %max3A_507, %max3A_515, %max3A_523, %max3A_531, %max3A_539, %max3A_547 : vector<16xf32>, vector<16xf32>, vector<16xf32>, vector<16xf32>, vector<16xf32>, vector<16xf32>, vector<16xf32>, vector<16xf32>, vector<16xf32>, vector<16xf32>, vector<16xf32>, vector<16xf32>, vector<16xf32>, vector<16xf32>, vector<16xf32>, vector<16xf32>, vector<16xf32>, vector<16xf32>, vector<16xf32>, vector<16xf32>, vector<16xf32>, vector<16xf32>, vector<16xf32>, vector<16xf32>
        }
        scf.yield %while3A_458#0, %while3A_458#1, %while3A_458#2, %while3A_458#3, %while3A_458#4, %while3A_458#5, %while3A_458#6, %while3A_458#7, %while3A_458#8, %while3A_458#9, %while3A_458#10, %while3A_458#11, %while3A_458#12, %while3A_458#13, %while3A_458#14, %while3A_458#15, %while3A_458#16, %while3A_458#17, %while3A_458#18, %while3A_458#19, %while3A_458#20, %while3A_458#21, %while3A_458#22, %while3A_458#23 : vector<16xf32>, vector<16xf32>, vector<16xf32>, vector<16xf32>, vector<16xf32>, vector<16xf32>, vector<16xf32>, vector<16xf32>, vector<16xf32>, vector<16xf32>, vector<16xf32>, vector<16xf32>, vector<16xf32>, vector<16xf32>, vector<16xf32>, vector<16xf32>, vector<16xf32>, vector<16xf32>, vector<16xf32>, vector<16xf32>, vector<16xf32>, vector<16xf32>, vector<16xf32>, vector<16xf32>
      }
      %while3A_97 = arith.constant 1 : i32
      %while3A_98:24 = scf.for %while3A_335 = %while3A_94 to %while3A_90 step %while3A_97 iter_args(%while3A_336 = %while3A_96#0, %while3A_337 = %while3A_96#1, %while3A_338 = %while3A_96#2, %while3A_339 = %while3A_96#3, %while3A_340 = %while3A_96#4, %while3A_341 = %while3A_96#5, %while3A_342 = %while3A_96#6, %while3A_343 = %while3A_96#7, %while3A_344 = %while3A_96#8, %while3A_345 = %while3A_96#9, %while3A_346 = %while3A_96#10, %while3A_347 = %while3A_96#11, %while3A_348 = %while3A_96#12, %while3A_349 = %while3A_96#13, %while3A_350 = %while3A_96#14, %while3A_351 = %while3A_96#15, %while3A_352 = %while3A_96#16, %while3A_353 = %while3A_96#17, %while3A_354 = %while3A_96#18, %while3A_355 = %while3A_96#19, %while3A_356 = %while3A_96#20, %while3A_357 = %while3A_96#21, %while3A_358 = %while3A_96#22, %while3A_359 = %while3A_96#23) -> (vector<16xf32>, vector<16xf32>, vector<16xf32>, vector<16xf32>, vector<16xf32>, vector<16xf32>, vector<16xf32>, vector<16xf32>, vector<16xf32>, vector<16xf32>, vector<16xf32>, vector<16xf32>, vector<16xf32>, vector<16xf32>, vector<16xf32>, vector<16xf32>, vector<16xf32>, vector<16xf32>, vector<16xf32>, vector<16xf32>, vector<16xf32>, vector<16xf32>, vector<16xf32>, vector<16xf32>)  : i32 {
        %add3A_360 = arith.addi %while3A_335, %scan3A_12 : i32
        %rem3A_361 = arith.constant 2 : i32
        %rem3A_362 = arith.remsi %add3A_360, %rem3A_361 : i32
        %sub3A_363 = arith.constant 1 : i32
        %sub3A_364 = arith.subi %sub3A_363, %rem3A_362 : i32
        %add3A_365 = arith.constant 1 : i32
        %add3A_366 = arith.addi %while3A_335, %add3A_365 : i32
        %ge3A = arith.cmpi sge, %add3A_366, %select_n3A_42 : i32
        %not3A = arith.constant true
        %not3A_367 = arith.xori %ge3A, %not3A : i1
        %convert_element_type3A_368 = arith.extui %not3A_367 : i1 to i32
        %cond3A_369 = arith.constant 0 : i32
        %cond3A_370 = arith.cmpi ne, %convert_element_type3A_368, %cond3A_369 : i32
        scf.if %cond3A_370 {
          %add3A_459 = arith.constant 1 : i32
          %add3A_460 = arith.addi %while3A_335, %add3A_459 : i32
          %mul3A_461 = arith.constant 128 : i32
          %mul3A_462 = arith.muli %add3A_460, %mul3A_461 : i32
          %add3A_463 = arith.addi %and3A_20, %mul3A_462 : i32
          %multiple_of3A = tpu.assume_multiple %add3A_463, 8 : i32
          "tpu.region"() ({
            %run_scoped3A = tpu.sem_alloc : memref<!tpu.dma_semaphore, #tpu.memory_space<semaphore_mem>>
            %dma_start3A_489 = arith.constant 0 : i32
            %dma_start3A_490 = tpu.memref_slice %arg7[%sub3A_364, %dma_start3A_489] : memref<2x128xi32, #tpu.memory_space<vmem>> -> memref<1x128xi32, #tpu.memory_space<vmem>>
            %dma_start3A_491 = tpu.memref_squeeze %dma_start3A_490 : memref<1x128xi32, #tpu.memory_space<vmem>> -> memref<128xi32, #tpu.memory_space<vmem>>
            %dma_start3A_492 = tpu.memref_slice %arg3[%multiple_of3A] : memref<320136xi32, #tpu.memory_space<hbm>> -> memref<128xi32, #tpu.memory_space<hbm>>
            %dma_start3A_493 = arith.constant 0 : i32
            %dma_start3A_494 = tpu.memref_slice %arg7[%sub3A_364, %dma_start3A_493] : memref<2x128xi32, #tpu.memory_space<vmem>> -> memref<1x128xi32, #tpu.memory_space<vmem>>
            %dma_start3A_495 = tpu.memref_squeeze %dma_start3A_494 : memref<1x128xi32, #tpu.memory_space<vmem>> -> memref<128xi32, #tpu.memory_space<vmem>>
            %dma_start3A_496 = tpu.memref_slice %arg3[%multiple_of3A] : memref<320136xi32, #tpu.memory_space<hbm>> -> memref<128xi32, #tpu.memory_space<hbm>>
            tpu.enqueue_dma source(%dma_start3A_496 : memref<128xi32, #tpu.memory_space<hbm>>) target(%dma_start3A_495 : memref<128xi32, #tpu.memory_space<vmem>>) target_semaphore(%run_scoped3A : memref<!tpu.dma_semaphore, #tpu.memory_space<semaphore_mem>>)
            %dma_wait3A_497 = arith.constant 0 : i32
            %dma_wait3A_498 = tpu.memref_slice %arg7[%sub3A_364, %dma_wait3A_497] : memref<2x128xi32, #tpu.memory_space<vmem>> -> memref<1x128xi32, #tpu.memory_space<vmem>>
            %dma_wait3A_499 = tpu.memref_squeeze %dma_wait3A_498 : memref<1x128xi32, #tpu.memory_space<vmem>> -> memref<128xi32, #tpu.memory_space<vmem>>
            %dma_wait3A_500 = tpu.memref_slice %arg3[%multiple_of3A] : memref<320136xi32, #tpu.memory_space<hbm>> -> memref<128xi32, #tpu.memory_space<hbm>>
            %dma_wait3A_501 = arith.constant 0 : i32
            %dma_wait3A_502 = tpu.memref_slice %arg7[%sub3A_364, %dma_wait3A_501] : memref<2x128xi32, #tpu.memory_space<vmem>> -> memref<1x128xi32, #tpu.memory_space<vmem>>
            %dma_wait3A_503 = tpu.memref_squeeze %dma_wait3A_502 : memref<1x128xi32, #tpu.memory_space<vmem>> -> memref<128xi32, #tpu.memory_space<vmem>>
            %dma_wait3A_504 = tpu.memref_slice %arg3[%multiple_of3A] : memref<320136xi32, #tpu.memory_space<hbm>> -> memref<128xi32, #tpu.memory_space<hbm>>
            tpu.wait_dma2 semaphore(%run_scoped3A : memref<!tpu.dma_semaphore, #tpu.memory_space<semaphore_mem>>) src(%dma_wait3A_504 : memref<128xi32, #tpu.memory_space<hbm>>) dst(%dma_wait3A_503 : memref<128xi32, #tpu.memory_space<vmem>>)
            tpu.yield
          }) : () -> ()
          %dma_start3A = arith.constant 0 : i32
          %dma_start3A_464 = arith.constant 0 : i32
          %dma_start3A_465 = arith.constant 0 : i32
          %dma_start3A_466 = tpu.memref_slice %arg8[%sub3A_364, %dma_start3A_464, %dma_start3A_465] : memref<2x128x128xf32, #tpu.memory_space<vmem>> -> memref<1x64x128xf32, #tpu.memory_space<vmem>>
          %dma_start3A_467 = tpu.memref_squeeze %dma_start3A_466 : memref<1x64x128xf32, #tpu.memory_space<vmem>> -> memref<64x128xf32, #tpu.memory_space<vmem>>
          %dma_start3A_468 = arith.constant 0 : i32
          %dma_start3A_469 = tpu.memref_slice %arg7[%sub3A_364, %dma_start3A_468] : memref<2x128xi32, #tpu.memory_space<vmem>> -> memref<1x64xi32, #tpu.memory_space<vmem>>
          %dma_start3A_470 = tpu.memref_squeeze %dma_start3A_469 : memref<1x64xi32, #tpu.memory_space<vmem>> -> memref<64xi32, #tpu.memory_space<vmem>>
          %dma_start3A_471 = arith.constant 0 : i32
          %dma_start3A_472 = arith.constant 0 : i32
          %dma_start3A_473 = tpu.memref_slice %arg2[%dma_start3A_471, %dma_start3A_472] : memref<10000x128xf32, #tpu.memory_space<hbm>> -> memref<10000x128xf32, #tpu.memory_space<hbm>>
          %dma_start3A_474 = tpu.memref_slice %arg10[%sub3A_364, %dma_start3A] : memref<2x2x!tpu.dma_semaphore, #tpu.memory_space<semaphore_mem>> -> memref<1x1x!tpu.dma_semaphore, #tpu.memory_space<semaphore_mem>>
          %dma_start3A_475 = tpu.memref_squeeze %dma_start3A_474 : memref<1x1x!tpu.dma_semaphore, #tpu.memory_space<semaphore_mem>> -> memref<!tpu.dma_semaphore, #tpu.memory_space<semaphore_mem>>
          tpu.enqueue_indirect_dma source(%dma_start3A_473 : memref<10000x128xf32, #tpu.memory_space<hbm>>) target(%dma_start3A_467 : memref<64x128xf32, #tpu.memory_space<vmem>>) offsets(%dma_start3A_470 : memref<64xi32, #tpu.memory_space<vmem>>) semaphore(%dma_start3A_475 : memref<!tpu.dma_semaphore, #tpu.memory_space<semaphore_mem>>)
          %dma_start3A_476 = arith.constant 1 : i32
          %dma_start3A_477 = arith.constant 64 : i32
          %dma_start3A_478 = arith.constant 0 : i32
          %dma_start3A_479 = tpu.memref_slice %arg8[%sub3A_364, %dma_start3A_477, %dma_start3A_478] : memref<2x128x128xf32, #tpu.memory_space<vmem>> -> memref<1x64x128xf32, #tpu.memory_space<vmem>>
          %dma_start3A_480 = tpu.memref_squeeze %dma_start3A_479 : memref<1x64x128xf32, #tpu.memory_space<vmem>> -> memref<64x128xf32, #tpu.memory_space<vmem>>
          %dma_start3A_481 = arith.constant 64 : i32
          %dma_start3A_482 = tpu.memref_slice %arg7[%sub3A_364, %dma_start3A_481] : memref<2x128xi32, #tpu.memory_space<vmem>> -> memref<1x64xi32, #tpu.memory_space<vmem>>
          %dma_start3A_483 = tpu.memref_squeeze %dma_start3A_482 : memref<1x64xi32, #tpu.memory_space<vmem>> -> memref<64xi32, #tpu.memory_space<vmem>>
          %dma_start3A_484 = arith.constant 0 : i32
          %dma_start3A_485 = arith.constant 0 : i32
          %dma_start3A_486 = tpu.memref_slice %arg2[%dma_start3A_484, %dma_start3A_485] : memref<10000x128xf32, #tpu.memory_space<hbm>> -> memref<10000x128xf32, #tpu.memory_space<hbm>>
          %dma_start3A_487 = tpu.memref_slice %arg10[%sub3A_364, %dma_start3A_476] : memref<2x2x!tpu.dma_semaphore, #tpu.memory_space<semaphore_mem>> -> memref<1x1x!tpu.dma_semaphore, #tpu.memory_space<semaphore_mem>>
          %dma_start3A_488 = tpu.memref_squeeze %dma_start3A_487 : memref<1x1x!tpu.dma_semaphore, #tpu.memory_space<semaphore_mem>> -> memref<!tpu.dma_semaphore, #tpu.memory_space<semaphore_mem>>
          tpu.enqueue_indirect_dma source(%dma_start3A_486 : memref<10000x128xf32, #tpu.memory_space<hbm>>) target(%dma_start3A_480 : memref<64x128xf32, #tpu.memory_space<vmem>>) offsets(%dma_start3A_483 : memref<64xi32, #tpu.memory_space<vmem>>) semaphore(%dma_start3A_488 : memref<!tpu.dma_semaphore, #tpu.memory_space<semaphore_mem>>)
        } else {
        }
        %gt3A_371 = arith.constant 0 : i32
        %gt3A_372 = arith.cmpi sgt, %select_n3A_78, %gt3A_371 : i32
        %and3A_373 = arith.andi %ge3A, %gt3A_372 : i1
        %convert_element_type3A_374 = arith.extui %and3A_373 : i1 to i32
        %cond3A_375 = arith.constant 0 : i32
        %cond3A_376 = arith.cmpi ne, %convert_element_type3A_374, %cond3A_375 : i32
        scf.if %cond3A_376 {
          %multiple_of3A = tpu.assume_multiple %and3A_44, 8 : i32
          "tpu.region"() ({
            %run_scoped3A = tpu.sem_alloc : memref<!tpu.dma_semaphore, #tpu.memory_space<semaphore_mem>>
            %dma_start3A_484 = arith.constant 0 : i32
            %dma_start3A_485 = tpu.memref_slice %arg7[%sub3A_364, %dma_start3A_484] : memref<2x128xi32, #tpu.memory_space<vmem>> -> memref<1x128xi32, #tpu.memory_space<vmem>>
            %dma_start3A_486 = tpu.memref_squeeze %dma_start3A_485 : memref<1x128xi32, #tpu.memory_space<vmem>> -> memref<128xi32, #tpu.memory_space<vmem>>
            %dma_start3A_487 = tpu.memref_slice %arg3[%multiple_of3A] : memref<320136xi32, #tpu.memory_space<hbm>> -> memref<128xi32, #tpu.memory_space<hbm>>
            %dma_start3A_488 = arith.constant 0 : i32
            %dma_start3A_489 = tpu.memref_slice %arg7[%sub3A_364, %dma_start3A_488] : memref<2x128xi32, #tpu.memory_space<vmem>> -> memref<1x128xi32, #tpu.memory_space<vmem>>
            %dma_start3A_490 = tpu.memref_squeeze %dma_start3A_489 : memref<1x128xi32, #tpu.memory_space<vmem>> -> memref<128xi32, #tpu.memory_space<vmem>>
            %dma_start3A_491 = tpu.memref_slice %arg3[%multiple_of3A] : memref<320136xi32, #tpu.memory_space<hbm>> -> memref<128xi32, #tpu.memory_space<hbm>>
            tpu.enqueue_dma source(%dma_start3A_491 : memref<128xi32, #tpu.memory_space<hbm>>) target(%dma_start3A_490 : memref<128xi32, #tpu.memory_space<vmem>>) target_semaphore(%run_scoped3A : memref<!tpu.dma_semaphore, #tpu.memory_space<semaphore_mem>>)
            %dma_wait3A_492 = arith.constant 0 : i32
            %dma_wait3A_493 = tpu.memref_slice %arg7[%sub3A_364, %dma_wait3A_492] : memref<2x128xi32, #tpu.memory_space<vmem>> -> memref<1x128xi32, #tpu.memory_space<vmem>>
            %dma_wait3A_494 = tpu.memref_squeeze %dma_wait3A_493 : memref<1x128xi32, #tpu.memory_space<vmem>> -> memref<128xi32, #tpu.memory_space<vmem>>
            %dma_wait3A_495 = tpu.memref_slice %arg3[%multiple_of3A] : memref<320136xi32, #tpu.memory_space<hbm>> -> memref<128xi32, #tpu.memory_space<hbm>>
            %dma_wait3A_496 = arith.constant 0 : i32
            %dma_wait3A_497 = tpu.memref_slice %arg7[%sub3A_364, %dma_wait3A_496] : memref<2x128xi32, #tpu.memory_space<vmem>> -> memref<1x128xi32, #tpu.memory_space<vmem>>
            %dma_wait3A_498 = tpu.memref_squeeze %dma_wait3A_497 : memref<1x128xi32, #tpu.memory_space<vmem>> -> memref<128xi32, #tpu.memory_space<vmem>>
            %dma_wait3A_499 = tpu.memref_slice %arg3[%multiple_of3A] : memref<320136xi32, #tpu.memory_space<hbm>> -> memref<128xi32, #tpu.memory_space<hbm>>
            tpu.wait_dma2 semaphore(%run_scoped3A : memref<!tpu.dma_semaphore, #tpu.memory_space<semaphore_mem>>) src(%dma_wait3A_499 : memref<128xi32, #tpu.memory_space<hbm>>) dst(%dma_wait3A_498 : memref<128xi32, #tpu.memory_space<vmem>>)
            tpu.yield
          }) : () -> ()
          %dma_start3A = arith.constant 0 : i32
          %dma_start3A_459 = arith.constant 0 : i32
          %dma_start3A_460 = arith.constant 0 : i32
          %dma_start3A_461 = tpu.memref_slice %arg8[%sub3A_364, %dma_start3A_459, %dma_start3A_460] : memref<2x128x128xf32, #tpu.memory_space<vmem>> -> memref<1x64x128xf32, #tpu.memory_space<vmem>>
          %dma_start3A_462 = tpu.memref_squeeze %dma_start3A_461 : memref<1x64x128xf32, #tpu.memory_space<vmem>> -> memref<64x128xf32, #tpu.memory_space<vmem>>
          %dma_start3A_463 = arith.constant 0 : i32
          %dma_start3A_464 = tpu.memref_slice %arg7[%sub3A_364, %dma_start3A_463] : memref<2x128xi32, #tpu.memory_space<vmem>> -> memref<1x64xi32, #tpu.memory_space<vmem>>
          %dma_start3A_465 = tpu.memref_squeeze %dma_start3A_464 : memref<1x64xi32, #tpu.memory_space<vmem>> -> memref<64xi32, #tpu.memory_space<vmem>>
          %dma_start3A_466 = arith.constant 0 : i32
          %dma_start3A_467 = arith.constant 0 : i32
          %dma_start3A_468 = tpu.memref_slice %arg2[%dma_start3A_466, %dma_start3A_467] : memref<10000x128xf32, #tpu.memory_space<hbm>> -> memref<10000x128xf32, #tpu.memory_space<hbm>>
          %dma_start3A_469 = tpu.memref_slice %arg10[%sub3A_364, %dma_start3A] : memref<2x2x!tpu.dma_semaphore, #tpu.memory_space<semaphore_mem>> -> memref<1x1x!tpu.dma_semaphore, #tpu.memory_space<semaphore_mem>>
          %dma_start3A_470 = tpu.memref_squeeze %dma_start3A_469 : memref<1x1x!tpu.dma_semaphore, #tpu.memory_space<semaphore_mem>> -> memref<!tpu.dma_semaphore, #tpu.memory_space<semaphore_mem>>
          tpu.enqueue_indirect_dma source(%dma_start3A_468 : memref<10000x128xf32, #tpu.memory_space<hbm>>) target(%dma_start3A_462 : memref<64x128xf32, #tpu.memory_space<vmem>>) offsets(%dma_start3A_465 : memref<64xi32, #tpu.memory_space<vmem>>) semaphore(%dma_start3A_470 : memref<!tpu.dma_semaphore, #tpu.memory_space<semaphore_mem>>)
          %dma_start3A_471 = arith.constant 1 : i32
          %dma_start3A_472 = arith.constant 64 : i32
          %dma_start3A_473 = arith.constant 0 : i32
          %dma_start3A_474 = tpu.memref_slice %arg8[%sub3A_364, %dma_start3A_472, %dma_start3A_473] : memref<2x128x128xf32, #tpu.memory_space<vmem>> -> memref<1x64x128xf32, #tpu.memory_space<vmem>>
          %dma_start3A_475 = tpu.memref_squeeze %dma_start3A_474 : memref<1x64x128xf32, #tpu.memory_space<vmem>> -> memref<64x128xf32, #tpu.memory_space<vmem>>
          %dma_start3A_476 = arith.constant 64 : i32
          %dma_start3A_477 = tpu.memref_slice %arg7[%sub3A_364, %dma_start3A_476] : memref<2x128xi32, #tpu.memory_space<vmem>> -> memref<1x64xi32, #tpu.memory_space<vmem>>
          %dma_start3A_478 = tpu.memref_squeeze %dma_start3A_477 : memref<1x64xi32, #tpu.memory_space<vmem>> -> memref<64xi32, #tpu.memory_space<vmem>>
          %dma_start3A_479 = arith.constant 0 : i32
          %dma_start3A_480 = arith.constant 0 : i32
          %dma_start3A_481 = tpu.memref_slice %arg2[%dma_start3A_479, %dma_start3A_480] : memref<10000x128xf32, #tpu.memory_space<hbm>> -> memref<10000x128xf32, #tpu.memory_space<hbm>>
          %dma_start3A_482 = tpu.memref_slice %arg10[%sub3A_364, %dma_start3A_471] : memref<2x2x!tpu.dma_semaphore, #tpu.memory_space<semaphore_mem>> -> memref<1x1x!tpu.dma_semaphore, #tpu.memory_space<semaphore_mem>>
          %dma_start3A_483 = tpu.memref_squeeze %dma_start3A_482 : memref<1x1x!tpu.dma_semaphore, #tpu.memory_space<semaphore_mem>> -> memref<!tpu.dma_semaphore, #tpu.memory_space<semaphore_mem>>
          tpu.enqueue_indirect_dma source(%dma_start3A_481 : memref<10000x128xf32, #tpu.memory_space<hbm>>) target(%dma_start3A_475 : memref<64x128xf32, #tpu.memory_space<vmem>>) offsets(%dma_start3A_478 : memref<64xi32, #tpu.memory_space<vmem>>) semaphore(%dma_start3A_483 : memref<!tpu.dma_semaphore, #tpu.memory_space<semaphore_mem>>)
        } else {
        }
        %dma_wait3A = arith.constant 0 : i32
        %dma_wait3A_377 = arith.constant 0 : i32
        %dma_wait3A_378 = arith.constant 0 : i32
        %dma_wait3A_379 = tpu.memref_slice %arg8[%rem3A_362, %dma_wait3A_377, %dma_wait3A_378] : memref<2x128x128xf32, #tpu.memory_space<vmem>> -> memref<1x64x128xf32, #tpu.memory_space<vmem>>
        %dma_wait3A_380 = tpu.memref_squeeze %dma_wait3A_379 : memref<1x64x128xf32, #tpu.memory_space<vmem>> -> memref<64x128xf32, #tpu.memory_space<vmem>>
        %dma_wait3A_381 = arith.constant 0 : i32
        %dma_wait3A_382 = tpu.memref_slice %arg7[%rem3A_362, %dma_wait3A_381] : memref<2x128xi32, #tpu.memory_space<vmem>> -> memref<1x64xi32, #tpu.memory_space<vmem>>
        %dma_wait3A_383 = tpu.memref_squeeze %dma_wait3A_382 : memref<1x64xi32, #tpu.memory_space<vmem>> -> memref<64xi32, #tpu.memory_space<vmem>>
        %dma_wait3A_384 = arith.constant 0 : i32
        %dma_wait3A_385 = arith.constant 0 : i32
        %dma_wait3A_386 = tpu.memref_slice %arg2[%dma_wait3A_384, %dma_wait3A_385] : memref<10000x128xf32, #tpu.memory_space<hbm>> -> memref<10000x128xf32, #tpu.memory_space<hbm>>
        %dma_wait3A_387 = tpu.memref_slice %arg10[%rem3A_362, %dma_wait3A] : memref<2x2x!tpu.dma_semaphore, #tpu.memory_space<semaphore_mem>> -> memref<1x1x!tpu.dma_semaphore, #tpu.memory_space<semaphore_mem>>
        %dma_wait3A_388 = tpu.memref_squeeze %dma_wait3A_387 : memref<1x1x!tpu.dma_semaphore, #tpu.memory_space<semaphore_mem>> -> memref<!tpu.dma_semaphore, #tpu.memory_space<semaphore_mem>>
        tpu.wait_indirect_dma semaphore(%dma_wait3A_388 : memref<!tpu.dma_semaphore, #tpu.memory_space<semaphore_mem>>) src(%dma_wait3A_386 : memref<10000x128xf32, #tpu.memory_space<hbm>>) dst(%dma_wait3A_380 : memref<64x128xf32, #tpu.memory_space<vmem>>)
        %dma_wait3A_389 = arith.constant 1 : i32
        %dma_wait3A_390 = arith.constant 64 : i32
        %dma_wait3A_391 = arith.constant 0 : i32
        %dma_wait3A_392 = tpu.memref_slice %arg8[%rem3A_362, %dma_wait3A_390, %dma_wait3A_391] : memref<2x128x128xf32, #tpu.memory_space<vmem>> -> memref<1x64x128xf32, #tpu.memory_space<vmem>>
        %dma_wait3A_393 = tpu.memref_squeeze %dma_wait3A_392 : memref<1x64x128xf32, #tpu.memory_space<vmem>> -> memref<64x128xf32, #tpu.memory_space<vmem>>
        %dma_wait3A_394 = arith.constant 64 : i32
        %dma_wait3A_395 = tpu.memref_slice %arg7[%rem3A_362, %dma_wait3A_394] : memref<2x128xi32, #tpu.memory_space<vmem>> -> memref<1x64xi32, #tpu.memory_space<vmem>>
        %dma_wait3A_396 = tpu.memref_squeeze %dma_wait3A_395 : memref<1x64xi32, #tpu.memory_space<vmem>> -> memref<64xi32, #tpu.memory_space<vmem>>
        %dma_wait3A_397 = arith.constant 0 : i32
        %dma_wait3A_398 = arith.constant 0 : i32
        %dma_wait3A_399 = tpu.memref_slice %arg2[%dma_wait3A_397, %dma_wait3A_398] : memref<10000x128xf32, #tpu.memory_space<hbm>> -> memref<10000x128xf32, #tpu.memory_space<hbm>>
        %dma_wait3A_400 = tpu.memref_slice %arg10[%rem3A_362, %dma_wait3A_389] : memref<2x2x!tpu.dma_semaphore, #tpu.memory_space<semaphore_mem>> -> memref<1x1x!tpu.dma_semaphore, #tpu.memory_space<semaphore_mem>>
        %dma_wait3A_401 = tpu.memref_squeeze %dma_wait3A_400 : memref<1x1x!tpu.dma_semaphore, #tpu.memory_space<semaphore_mem>> -> memref<!tpu.dma_semaphore, #tpu.memory_space<semaphore_mem>>
        tpu.wait_indirect_dma semaphore(%dma_wait3A_401 : memref<!tpu.dma_semaphore, #tpu.memory_space<semaphore_mem>>) src(%dma_wait3A_399 : memref<10000x128xf32, #tpu.memory_space<hbm>>) dst(%dma_wait3A_393 : memref<64x128xf32, #tpu.memory_space<vmem>>)
        %mul3A_402 = arith.constant 128 : i32
        %mul3A_403 = arith.muli %while3A_335, %mul3A_402 : i32
        %add3A_404 = arith.addi %and3A_20, %mul3A_403 : i32
        %sub3A_405 = arith.subi %squeeze3A, %add3A_404 : i32
        %max3A_406 = arith.constant 0 : i32
        %max3A_407 = arith.maxsi %sub3A_405, %max3A_406 : i32
        %sub3A_408 = arith.subi %squeeze3A_17, %add3A_404 : i32
        %min3A = arith.constant 128 : i32
        %min3A_409 = arith.minsi %sub3A_408, %min3A : i32
        %sub3A_410 = arith.subi %min3A_409, %max3A_407 : i32
        %jit3A_411 = arith.constant 2 : i32
        %div3A_412 = arith.divsi %sub3A_410, %jit3A_411 : i32
        %sign3A_413 = arith.constant 0 : i32
        %sign3A_414 = arith.cmpi sgt, %sub3A_410, %sign3A_413 : i32
        %sign3A_415 = arith.extui %sign3A_414 : i1 to i32
        %sign3A_416 = arith.constant 0 : i32
        %sign3A_417 = arith.cmpi slt, %sub3A_410, %sign3A_416 : i32
        %sign3A_418 = arith.extui %sign3A_417 : i1 to i32
        %sign3A_419 = arith.subi %sign3A_415, %sign3A_418 : i32
        %sign3A_420 = arith.constant 0 : i32
        %sign3A_421 = arith.cmpi sgt, %jit3A_411, %sign3A_420 : i32
        %sign3A_422 = arith.extui %sign3A_421 : i1 to i32
        %sign3A_423 = arith.constant 0 : i32
        %sign3A_424 = arith.cmpi slt, %jit3A_411, %sign3A_423 : i32
        %sign3A_425 = arith.extui %sign3A_424 : i1 to i32
        %sign3A_426 = arith.subi %sign3A_422, %sign3A_425 : i32
        %ne3A_427 = arith.cmpi ne, %sign3A_419, %sign3A_426 : i32
        %rem3A_428 = arith.remsi %sub3A_410, %jit3A_411 : i32
        %ne3A_429 = arith.constant 0 : i32
        %ne3A_430 = arith.cmpi ne, %rem3A_428, %ne3A_429 : i32
        %and3A_431 = arith.andi %ne3A_427, %ne3A_430 : i1
        %sub3A_432 = arith.constant 1 : i32
        %sub3A_433 = arith.subi %div3A_412, %sub3A_432 : i32
        %select_n3A_434 = arith.select %and3A_431, %sub3A_433, %div3A_412 : i32
        %while3A_435 = arith.constant 0 : i32
        %while3A_436 = arith.subi %select_n3A_434, %while3A_435 : i32
        %while3A_437 = arith.addi %while3A_435, %while3A_436 : i32
        %while3A_438 = arith.constant 1 : i32
        %while3A_439 = arith.divsi %while3A_436, %while3A_438 : i32
        %while3A_440 = arith.muli %while3A_439, %while3A_438 : i32
        %while3A_441 = arith.addi %while3A_435, %while3A_440 : i32
        %while3A_442 = arith.constant 1 : i32
        %while3A_443:24 = scf.for %while3A_459 = %while3A_435 to %while3A_441 step %while3A_442 iter_args(%while3A_460 = %while3A_336, %while3A_461 = %while3A_337, %while3A_462 = %while3A_338, %while3A_463 = %while3A_339, %while3A_464 = %while3A_340, %while3A_465 = %while3A_341, %while3A_466 = %while3A_342, %while3A_467 = %while3A_343, %while3A_468 = %while3A_344, %while3A_469 = %while3A_345, %while3A_470 = %while3A_346, %while3A_471 = %while3A_347, %while3A_472 = %while3A_348, %while3A_473 = %while3A_349, %while3A_474 = %while3A_350, %while3A_475 = %while3A_351, %while3A_476 = %while3A_352, %while3A_477 = %while3A_353, %while3A_478 = %while3A_354, %while3A_479 = %while3A_355, %while3A_480 = %while3A_356, %while3A_481 = %while3A_357, %while3A_482 = %while3A_358, %while3A_483 = %while3A_359) -> (vector<16xf32>, vector<16xf32>, vector<16xf32>, vector<16xf32>, vector<16xf32>, vector<16xf32>, vector<16xf32>, vector<16xf32>, vector<16xf32>, vector<16xf32>, vector<16xf32>, vector<16xf32>, vector<16xf32>, vector<16xf32>, vector<16xf32>, vector<16xf32>, vector<16xf32>, vector<16xf32>, vector<16xf32>, vector<16xf32>, vector<16xf32>, vector<16xf32>, vector<16xf32>, vector<16xf32>)  : i32 {
          %mul3A_484 = arith.constant 2 : i32
          %mul3A_485 = arith.muli %while3A_459, %mul3A_484 : i32
          %add3A_486 = arith.addi %max3A_407, %mul3A_485 : i32
          %add3A_487 = arith.constant 0 : i32
          %add3A_488 = arith.addi %add3A_486, %add3A_487 : i32
          %get3A_489 = arith.index_cast %rem3A_362 : i32 to index
          %get3A_490 = arith.index_cast %add3A_488 : i32 to index
          %get3A_491 = arith.constant 0 : index
          %get3A_492 = tpu.vector_load %arg8[%get3A_489, %get3A_490, %get3A_491] {strides = array<i32>} : memref<2x128x128xf32, #tpu.memory_space<vmem>>, vector<1x1x16xf32>,
          %get3A_493 = vector.shape_cast %get3A_492 : vector<1x1x16xf32> to vector<16xf32>
          %add3A_494 = arith.addf %while3A_460, %get3A_493 : vector<16xf32>
          %min3A_495 = arith.minimumf %while3A_468, %get3A_493 : vector<16xf32>
          %max3A_496 = arith.maximumf %while3A_476, %get3A_493 : vector<16xf32>
          %get3A_497 = arith.index_cast %rem3A_362 : i32 to index
          %get3A_498 = arith.index_cast %add3A_488 : i32 to index
          %get3A_499 = arith.constant 16 : index
          %get3A_500 = tpu.vector_load %arg8[%get3A_497, %get3A_498, %get3A_499] {strides = array<i32>} : memref<2x128x128xf32, #tpu.memory_space<vmem>>, vector<1x1x16xf32>,
          %get3A_501 = vector.shape_cast %get3A_500 : vector<1x1x16xf32> to vector<16xf32>
          %add3A_502 = arith.addf %while3A_461, %get3A_501 : vector<16xf32>
          %min3A_503 = arith.minimumf %while3A_469, %get3A_501 : vector<16xf32>
          %max3A_504 = arith.maximumf %while3A_477, %get3A_501 : vector<16xf32>
          %get3A_505 = arith.index_cast %rem3A_362 : i32 to index
          %get3A_506 = arith.index_cast %add3A_488 : i32 to index
          %get3A_507 = arith.constant 32 : index
          %get3A_508 = tpu.vector_load %arg8[%get3A_505, %get3A_506, %get3A_507] {strides = array<i32>} : memref<2x128x128xf32, #tpu.memory_space<vmem>>, vector<1x1x16xf32>,
          %get3A_509 = vector.shape_cast %get3A_508 : vector<1x1x16xf32> to vector<16xf32>
          %add3A_510 = arith.addf %while3A_462, %get3A_509 : vector<16xf32>
          %min3A_511 = arith.minimumf %while3A_470, %get3A_509 : vector<16xf32>
          %max3A_512 = arith.maximumf %while3A_478, %get3A_509 : vector<16xf32>
          %get3A_513 = arith.index_cast %rem3A_362 : i32 to index
          %get3A_514 = arith.index_cast %add3A_488 : i32 to index
          %get3A_515 = arith.constant 48 : index
          %get3A_516 = tpu.vector_load %arg8[%get3A_513, %get3A_514, %get3A_515] {strides = array<i32>} : memref<2x128x128xf32, #tpu.memory_space<vmem>>, vector<1x1x16xf32>,
          %get3A_517 = vector.shape_cast %get3A_516 : vector<1x1x16xf32> to vector<16xf32>
          %add3A_518 = arith.addf %while3A_463, %get3A_517 : vector<16xf32>
          %min3A_519 = arith.minimumf %while3A_471, %get3A_517 : vector<16xf32>
          %max3A_520 = arith.maximumf %while3A_479, %get3A_517 : vector<16xf32>
          %get3A_521 = arith.index_cast %rem3A_362 : i32 to index
          %get3A_522 = arith.index_cast %add3A_488 : i32 to index
          %get3A_523 = arith.constant 64 : index
          %get3A_524 = tpu.vector_load %arg8[%get3A_521, %get3A_522, %get3A_523] {strides = array<i32>} : memref<2x128x128xf32, #tpu.memory_space<vmem>>, vector<1x1x16xf32>,
          %get3A_525 = vector.shape_cast %get3A_524 : vector<1x1x16xf32> to vector<16xf32>
          %add3A_526 = arith.addf %while3A_464, %get3A_525 : vector<16xf32>
          %min3A_527 = arith.minimumf %while3A_472, %get3A_525 : vector<16xf32>
          %max3A_528 = arith.maximumf %while3A_480, %get3A_525 : vector<16xf32>
          %get3A_529 = arith.index_cast %rem3A_362 : i32 to index
          %get3A_530 = arith.index_cast %add3A_488 : i32 to index
          %get3A_531 = arith.constant 80 : index
          %get3A_532 = tpu.vector_load %arg8[%get3A_529, %get3A_530, %get3A_531] {strides = array<i32>} : memref<2x128x128xf32, #tpu.memory_space<vmem>>, vector<1x1x16xf32>,
          %get3A_533 = vector.shape_cast %get3A_532 : vector<1x1x16xf32> to vector<16xf32>
          %add3A_534 = arith.addf %while3A_465, %get3A_533 : vector<16xf32>
          %min3A_535 = arith.minimumf %while3A_473, %get3A_533 : vector<16xf32>
          %max3A_536 = arith.maximumf %while3A_481, %get3A_533 : vector<16xf32>
          %get3A_537 = arith.index_cast %rem3A_362 : i32 to index
          %get3A_538 = arith.index_cast %add3A_488 : i32 to index
          %get3A_539 = arith.constant 96 : index
          %get3A_540 = tpu.vector_load %arg8[%get3A_537, %get3A_538, %get3A_539] {strides = array<i32>} : memref<2x128x128xf32, #tpu.memory_space<vmem>>, vector<1x1x16xf32>,
          %get3A_541 = vector.shape_cast %get3A_540 : vector<1x1x16xf32> to vector<16xf32>
          %add3A_542 = arith.addf %while3A_466, %get3A_541 : vector<16xf32>
          %min3A_543 = arith.minimumf %while3A_474, %get3A_541 : vector<16xf32>
          %max3A_544 = arith.maximumf %while3A_482, %get3A_541 : vector<16xf32>
          %get3A_545 = arith.index_cast %rem3A_362 : i32 to index
          %get3A_546 = arith.index_cast %add3A_488 : i32 to index
          %get3A_547 = arith.constant 112 : index
          %get3A_548 = tpu.vector_load %arg8[%get3A_545, %get3A_546, %get3A_547] {strides = array<i32>} : memref<2x128x128xf32, #tpu.memory_space<vmem>>, vector<1x1x16xf32>,
          %get3A_549 = vector.shape_cast %get3A_548 : vector<1x1x16xf32> to vector<16xf32>
          %add3A_550 = arith.addf %while3A_467, %get3A_549 : vector<16xf32>
          %min3A_551 = arith.minimumf %while3A_475, %get3A_549 : vector<16xf32>
          %max3A_552 = arith.maximumf %while3A_483, %get3A_549 : vector<16xf32>
          %add3A_553 = arith.constant 1 : i32
          %add3A_554 = arith.addi %add3A_486, %add3A_553 : i32
          %get3A_555 = arith.index_cast %rem3A_362 : i32 to index
          %get3A_556 = arith.index_cast %add3A_554 : i32 to index
          %get3A_557 = arith.constant 0 : index
          %get3A_558 = tpu.vector_load %arg8[%get3A_555, %get3A_556, %get3A_557] {strides = array<i32>} : memref<2x128x128xf32, #tpu.memory_space<vmem>>, vector<1x1x16xf32>,
          %get3A_559 = vector.shape_cast %get3A_558 : vector<1x1x16xf32> to vector<16xf32>
          %add3A_560 = arith.addf %add3A_494, %get3A_559 : vector<16xf32>
          %min3A_561 = arith.minimumf %min3A_495, %get3A_559 : vector<16xf32>
          %max3A_562 = arith.maximumf %max3A_496, %get3A_559 : vector<16xf32>
          %get3A_563 = arith.index_cast %rem3A_362 : i32 to index
          %get3A_564 = arith.index_cast %add3A_554 : i32 to index
          %get3A_565 = arith.constant 16 : index
          %get3A_566 = tpu.vector_load %arg8[%get3A_563, %get3A_564, %get3A_565] {strides = array<i32>} : memref<2x128x128xf32, #tpu.memory_space<vmem>>, vector<1x1x16xf32>,
          %get3A_567 = vector.shape_cast %get3A_566 : vector<1x1x16xf32> to vector<16xf32>
          %add3A_568 = arith.addf %add3A_502, %get3A_567 : vector<16xf32>
          %min3A_569 = arith.minimumf %min3A_503, %get3A_567 : vector<16xf32>
          %max3A_570 = arith.maximumf %max3A_504, %get3A_567 : vector<16xf32>
          %get3A_571 = arith.index_cast %rem3A_362 : i32 to index
          %get3A_572 = arith.index_cast %add3A_554 : i32 to index
          %get3A_573 = arith.constant 32 : index
          %get3A_574 = tpu.vector_load %arg8[%get3A_571, %get3A_572, %get3A_573] {strides = array<i32>} : memref<2x128x128xf32, #tpu.memory_space<vmem>>, vector<1x1x16xf32>,
          %get3A_575 = vector.shape_cast %get3A_574 : vector<1x1x16xf32> to vector<16xf32>
          %add3A_576 = arith.addf %add3A_510, %get3A_575 : vector<16xf32>
          %min3A_577 = arith.minimumf %min3A_511, %get3A_575 : vector<16xf32>
          %max3A_578 = arith.maximumf %max3A_512, %get3A_575 : vector<16xf32>
          %get3A_579 = arith.index_cast %rem3A_362 : i32 to index
          %get3A_580 = arith.index_cast %add3A_554 : i32 to index
          %get3A_581 = arith.constant 48 : index
          %get3A_582 = tpu.vector_load %arg8[%get3A_579, %get3A_580, %get3A_581] {strides = array<i32>} : memref<2x128x128xf32, #tpu.memory_space<vmem>>, vector<1x1x16xf32>,
          %get3A_583 = vector.shape_cast %get3A_582 : vector<1x1x16xf32> to vector<16xf32>
          %add3A_584 = arith.addf %add3A_518, %get3A_583 : vector<16xf32>
          %min3A_585 = arith.minimumf %min3A_519, %get3A_583 : vector<16xf32>
          %max3A_586 = arith.maximumf %max3A_520, %get3A_583 : vector<16xf32>
          %get3A_587 = arith.index_cast %rem3A_362 : i32 to index
          %get3A_588 = arith.index_cast %add3A_554 : i32 to index
          %get3A_589 = arith.constant 64 : index
          %get3A_590 = tpu.vector_load %arg8[%get3A_587, %get3A_588, %get3A_589] {strides = array<i32>} : memref<2x128x128xf32, #tpu.memory_space<vmem>>, vector<1x1x16xf32>,
          %get3A_591 = vector.shape_cast %get3A_590 : vector<1x1x16xf32> to vector<16xf32>
          %add3A_592 = arith.addf %add3A_526, %get3A_591 : vector<16xf32>
          %min3A_593 = arith.minimumf %min3A_527, %get3A_591 : vector<16xf32>
          %max3A_594 = arith.maximumf %max3A_528, %get3A_591 : vector<16xf32>
          %get3A_595 = arith.index_cast %rem3A_362 : i32 to index
          %get3A_596 = arith.index_cast %add3A_554 : i32 to index
          %get3A_597 = arith.constant 80 : index
          %get3A_598 = tpu.vector_load %arg8[%get3A_595, %get3A_596, %get3A_597] {strides = array<i32>} : memref<2x128x128xf32, #tpu.memory_space<vmem>>, vector<1x1x16xf32>,
          %get3A_599 = vector.shape_cast %get3A_598 : vector<1x1x16xf32> to vector<16xf32>
          %add3A_600 = arith.addf %add3A_534, %get3A_599 : vector<16xf32>
          %min3A_601 = arith.minimumf %min3A_535, %get3A_599 : vector<16xf32>
          %max3A_602 = arith.maximumf %max3A_536, %get3A_599 : vector<16xf32>
          %get3A_603 = arith.index_cast %rem3A_362 : i32 to index
          %get3A_604 = arith.index_cast %add3A_554 : i32 to index
          %get3A_605 = arith.constant 96 : index
          %get3A_606 = tpu.vector_load %arg8[%get3A_603, %get3A_604, %get3A_605] {strides = array<i32>} : memref<2x128x128xf32, #tpu.memory_space<vmem>>, vector<1x1x16xf32>,
          %get3A_607 = vector.shape_cast %get3A_606 : vector<1x1x16xf32> to vector<16xf32>
          %add3A_608 = arith.addf %add3A_542, %get3A_607 : vector<16xf32>
          %min3A_609 = arith.minimumf %min3A_543, %get3A_607 : vector<16xf32>
          %max3A_610 = arith.maximumf %max3A_544, %get3A_607 : vector<16xf32>
          %get3A_611 = arith.index_cast %rem3A_362 : i32 to index
          %get3A_612 = arith.index_cast %add3A_554 : i32 to index
          %get3A_613 = arith.constant 112 : index
          %get3A_614 = tpu.vector_load %arg8[%get3A_611, %get3A_612, %get3A_613] {strides = array<i32>} : memref<2x128x128xf32, #tpu.memory_space<vmem>>, vector<1x1x16xf32>,
          %get3A_615 = vector.shape_cast %get3A_614 : vector<1x1x16xf32> to vector<16xf32>
          %add3A_616 = arith.addf %add3A_550, %get3A_615 : vector<16xf32>
          %min3A_617 = arith.minimumf %min3A_551, %get3A_615 : vector<16xf32>
          %max3A_618 = arith.maximumf %max3A_552, %get3A_615 : vector<16xf32>
          scf.yield %add3A_560, %add3A_568, %add3A_576, %add3A_584, %add3A_592, %add3A_600, %add3A_608, %add3A_616, %min3A_561, %min3A_569, %min3A_577, %min3A_585, %min3A_593, %min3A_601, %min3A_609, %min3A_617, %max3A_562, %max3A_570, %max3A_578, %max3A_586, %max3A_594, %max3A_602, %max3A_610, %max3A_618 : vector<16xf32>, vector<16xf32>, vector<16xf32>, vector<16xf32>, vector<16xf32>, vector<16xf32>, vector<16xf32>, vector<16xf32>, vector<16xf32>, vector<16xf32>, vector<16xf32>, vector<16xf32>, vector<16xf32>, vector<16xf32>, vector<16xf32>, vector<16xf32>, vector<16xf32>, vector<16xf32>, vector<16xf32>, vector<16xf32>, vector<16xf32>, vector<16xf32>, vector<16xf32>, vector<16xf32>
        }
        %while3A_444 = arith.constant 1 : i32
        %while3A_445:24 = scf.for %while3A_459 = %while3A_441 to %while3A_437 step %while3A_444 iter_args(%while3A_460 = %while3A_443#0, %while3A_461 = %while3A_443#1, %while3A_462 = %while3A_443#2, %while3A_463 = %while3A_443#3, %while3A_464 = %while3A_443#4, %while3A_465 = %while3A_443#5, %while3A_466 = %while3A_443#6, %while3A_467 = %while3A_443#7, %while3A_468 = %while3A_443#8, %while3A_469 = %while3A_443#9, %while3A_470 = %while3A_443#10, %while3A_471 = %while3A_443#11, %while3A_472 = %while3A_443#12, %while3A_473 = %while3A_443#13, %while3A_474 = %while3A_443#14, %while3A_475 = %while3A_443#15, %while3A_476 = %while3A_443#16, %while3A_477 = %while3A_443#17, %while3A_478 = %while3A_443#18, %while3A_479 = %while3A_443#19, %while3A_480 = %while3A_443#20, %while3A_481 = %while3A_443#21, %while3A_482 = %while3A_443#22, %while3A_483 = %while3A_443#23) -> (vector<16xf32>, vector<16xf32>, vector<16xf32>, vector<16xf32>, vector<16xf32>, vector<16xf32>, vector<16xf32>, vector<16xf32>, vector<16xf32>, vector<16xf32>, vector<16xf32>, vector<16xf32>, vector<16xf32>, vector<16xf32>, vector<16xf32>, vector<16xf32>, vector<16xf32>, vector<16xf32>, vector<16xf32>, vector<16xf32>, vector<16xf32>, vector<16xf32>, vector<16xf32>, vector<16xf32>)  : i32 {
          %mul3A_484 = arith.constant 2 : i32
          %mul3A_485 = arith.muli %while3A_459, %mul3A_484 : i32
          %add3A_486 = arith.addi %max3A_407, %mul3A_485 : i32
          %add3A_487 = arith.constant 0 : i32
          %add3A_488 = arith.addi %add3A_486, %add3A_487 : i32
          %get3A_489 = arith.index_cast %rem3A_362 : i32 to index
          %get3A_490 = arith.index_cast %add3A_488 : i32 to index
          %get3A_491 = arith.constant 0 : index
          %get3A_492 = tpu.vector_load %arg8[%get3A_489, %get3A_490, %get3A_491] {strides = array<i32>} : memref<2x128x128xf32, #tpu.memory_space<vmem>>, vector<1x1x16xf32>,
          %get3A_493 = vector.shape_cast %get3A_492 : vector<1x1x16xf32> to vector<16xf32>
          %add3A_494 = arith.addf %while3A_460, %get3A_493 : vector<16xf32>
          %min3A_495 = arith.minimumf %while3A_468, %get3A_493 : vector<16xf32>
          %max3A_496 = arith.maximumf %while3A_476, %get3A_493 : vector<16xf32>
          %get3A_497 = arith.index_cast %rem3A_362 : i32 to index
          %get3A_498 = arith.index_cast %add3A_488 : i32 to index
          %get3A_499 = arith.constant 16 : index
          %get3A_500 = tpu.vector_load %arg8[%get3A_497, %get3A_498, %get3A_499] {strides = array<i32>} : memref<2x128x128xf32, #tpu.memory_space<vmem>>, vector<1x1x16xf32>,
          %get3A_501 = vector.shape_cast %get3A_500 : vector<1x1x16xf32> to vector<16xf32>
          %add3A_502 = arith.addf %while3A_461, %get3A_501 : vector<16xf32>
          %min3A_503 = arith.minimumf %while3A_469, %get3A_501 : vector<16xf32>
          %max3A_504 = arith.maximumf %while3A_477, %get3A_501 : vector<16xf32>
          %get3A_505 = arith.index_cast %rem3A_362 : i32 to index
          %get3A_506 = arith.index_cast %add3A_488 : i32 to index
          %get3A_507 = arith.constant 32 : index
          %get3A_508 = tpu.vector_load %arg8[%get3A_505, %get3A_506, %get3A_507] {strides = array<i32>} : memref<2x128x128xf32, #tpu.memory_space<vmem>>, vector<1x1x16xf32>,
          %get3A_509 = vector.shape_cast %get3A_508 : vector<1x1x16xf32> to vector<16xf32>
          %add3A_510 = arith.addf %while3A_462, %get3A_509 : vector<16xf32>
          %min3A_511 = arith.minimumf %while3A_470, %get3A_509 : vector<16xf32>
          %max3A_512 = arith.maximumf %while3A_478, %get3A_509 : vector<16xf32>
          %get3A_513 = arith.index_cast %rem3A_362 : i32 to index
          %get3A_514 = arith.index_cast %add3A_488 : i32 to index
          %get3A_515 = arith.constant 48 : index
          %get3A_516 = tpu.vector_load %arg8[%get3A_513, %get3A_514, %get3A_515] {strides = array<i32>} : memref<2x128x128xf32, #tpu.memory_space<vmem>>, vector<1x1x16xf32>,
          %get3A_517 = vector.shape_cast %get3A_516 : vector<1x1x16xf32> to vector<16xf32>
          %add3A_518 = arith.addf %while3A_463, %get3A_517 : vector<16xf32>
          %min3A_519 = arith.minimumf %while3A_471, %get3A_517 : vector<16xf32>
          %max3A_520 = arith.maximumf %while3A_479, %get3A_517 : vector<16xf32>
          %get3A_521 = arith.index_cast %rem3A_362 : i32 to index
          %get3A_522 = arith.index_cast %add3A_488 : i32 to index
          %get3A_523 = arith.constant 64 : index
          %get3A_524 = tpu.vector_load %arg8[%get3A_521, %get3A_522, %get3A_523] {strides = array<i32>} : memref<2x128x128xf32, #tpu.memory_space<vmem>>, vector<1x1x16xf32>,
          %get3A_525 = vector.shape_cast %get3A_524 : vector<1x1x16xf32> to vector<16xf32>
          %add3A_526 = arith.addf %while3A_464, %get3A_525 : vector<16xf32>
          %min3A_527 = arith.minimumf %while3A_472, %get3A_525 : vector<16xf32>
          %max3A_528 = arith.maximumf %while3A_480, %get3A_525 : vector<16xf32>
          %get3A_529 = arith.index_cast %rem3A_362 : i32 to index
          %get3A_530 = arith.index_cast %add3A_488 : i32 to index
          %get3A_531 = arith.constant 80 : index
          %get3A_532 = tpu.vector_load %arg8[%get3A_529, %get3A_530, %get3A_531] {strides = array<i32>} : memref<2x128x128xf32, #tpu.memory_space<vmem>>, vector<1x1x16xf32>,
          %get3A_533 = vector.shape_cast %get3A_532 : vector<1x1x16xf32> to vector<16xf32>
          %add3A_534 = arith.addf %while3A_465, %get3A_533 : vector<16xf32>
          %min3A_535 = arith.minimumf %while3A_473, %get3A_533 : vector<16xf32>
          %max3A_536 = arith.maximumf %while3A_481, %get3A_533 : vector<16xf32>
          %get3A_537 = arith.index_cast %rem3A_362 : i32 to index
          %get3A_538 = arith.index_cast %add3A_488 : i32 to index
          %get3A_539 = arith.constant 96 : index
          %get3A_540 = tpu.vector_load %arg8[%get3A_537, %get3A_538, %get3A_539] {strides = array<i32>} : memref<2x128x128xf32, #tpu.memory_space<vmem>>, vector<1x1x16xf32>,
          %get3A_541 = vector.shape_cast %get3A_540 : vector<1x1x16xf32> to vector<16xf32>
          %add3A_542 = arith.addf %while3A_466, %get3A_541 : vector<16xf32>
          %min3A_543 = arith.minimumf %while3A_474, %get3A_541 : vector<16xf32>
          %max3A_544 = arith.maximumf %while3A_482, %get3A_541 : vector<16xf32>
          %get3A_545 = arith.index_cast %rem3A_362 : i32 to index
          %get3A_546 = arith.index_cast %add3A_488 : i32 to index
          %get3A_547 = arith.constant 112 : index
          %get3A_548 = tpu.vector_load %arg8[%get3A_545, %get3A_546, %get3A_547] {strides = array<i32>} : memref<2x128x128xf32, #tpu.memory_space<vmem>>, vector<1x1x16xf32>,
          %get3A_549 = vector.shape_cast %get3A_548 : vector<1x1x16xf32> to vector<16xf32>
          %add3A_550 = arith.addf %while3A_467, %get3A_549 : vector<16xf32>
          %min3A_551 = arith.minimumf %while3A_475, %get3A_549 : vector<16xf32>
          %max3A_552 = arith.maximumf %while3A_483, %get3A_549 : vector<16xf32>
          %add3A_553 = arith.constant 1 : i32
          %add3A_554 = arith.addi %add3A_486, %add3A_553 : i32
          %get3A_555 = arith.index_cast %rem3A_362 : i32 to index
          %get3A_556 = arith.index_cast %add3A_554 : i32 to index
          %get3A_557 = arith.constant 0 : index
          %get3A_558 = tpu.vector_load %arg8[%get3A_555, %get3A_556, %get3A_557] {strides = array<i32>} : memref<2x128x128xf32, #tpu.memory_space<vmem>>, vector<1x1x16xf32>,
          %get3A_559 = vector.shape_cast %get3A_558 : vector<1x1x16xf32> to vector<16xf32>
          %add3A_560 = arith.addf %add3A_494, %get3A_559 : vector<16xf32>
          %min3A_561 = arith.minimumf %min3A_495, %get3A_559 : vector<16xf32>
          %max3A_562 = arith.maximumf %max3A_496, %get3A_559 : vector<16xf32>
          %get3A_563 = arith.index_cast %rem3A_362 : i32 to index
          %get3A_564 = arith.index_cast %add3A_554 : i32 to index
          %get3A_565 = arith.constant 16 : index
          %get3A_566 = tpu.vector_load %arg8[%get3A_563, %get3A_564, %get3A_565] {strides = array<i32>} : memref<2x128x128xf32, #tpu.memory_space<vmem>>, vector<1x1x16xf32>,
          %get3A_567 = vector.shape_cast %get3A_566 : vector<1x1x16xf32> to vector<16xf32>
          %add3A_568 = arith.addf %add3A_502, %get3A_567 : vector<16xf32>
          %min3A_569 = arith.minimumf %min3A_503, %get3A_567 : vector<16xf32>
          %max3A_570 = arith.maximumf %max3A_504, %get3A_567 : vector<16xf32>
          %get3A_571 = arith.index_cast %rem3A_362 : i32 to index
          %get3A_572 = arith.index_cast %add3A_554 : i32 to index
          %get3A_573 = arith.constant 32 : index
          %get3A_574 = tpu.vector_load %arg8[%get3A_571, %get3A_572, %get3A_573] {strides = array<i32>} : memref<2x128x128xf32, #tpu.memory_space<vmem>>, vector<1x1x16xf32>,
          %get3A_575 = vector.shape_cast %get3A_574 : vector<1x1x16xf32> to vector<16xf32>
          %add3A_576 = arith.addf %add3A_510, %get3A_575 : vector<16xf32>
          %min3A_577 = arith.minimumf %min3A_511, %get3A_575 : vector<16xf32>
          %max3A_578 = arith.maximumf %max3A_512, %get3A_575 : vector<16xf32>
          %get3A_579 = arith.index_cast %rem3A_362 : i32 to index
          %get3A_580 = arith.index_cast %add3A_554 : i32 to index
          %get3A_581 = arith.constant 48 : index
          %get3A_582 = tpu.vector_load %arg8[%get3A_579, %get3A_580, %get3A_581] {strides = array<i32>} : memref<2x128x128xf32, #tpu.memory_space<vmem>>, vector<1x1x16xf32>,
          %get3A_583 = vector.shape_cast %get3A_582 : vector<1x1x16xf32> to vector<16xf32>
          %add3A_584 = arith.addf %add3A_518, %get3A_583 : vector<16xf32>
          %min3A_585 = arith.minimumf %min3A_519, %get3A_583 : vector<16xf32>
          %max3A_586 = arith.maximumf %max3A_520, %get3A_583 : vector<16xf32>
          %get3A_587 = arith.index_cast %rem3A_362 : i32 to index
          %get3A_588 = arith.index_cast %add3A_554 : i32 to index
          %get3A_589 = arith.constant 64 : index
          %get3A_590 = tpu.vector_load %arg8[%get3A_587, %get3A_588, %get3A_589] {strides = array<i32>} : memref<2x128x128xf32, #tpu.memory_space<vmem>>, vector<1x1x16xf32>,
          %get3A_591 = vector.shape_cast %get3A_590 : vector<1x1x16xf32> to vector<16xf32>
          %add3A_592 = arith.addf %add3A_526, %get3A_591 : vector<16xf32>
          %min3A_593 = arith.minimumf %min3A_527, %get3A_591 : vector<16xf32>
          %max3A_594 = arith.maximumf %max3A_528, %get3A_591 : vector<16xf32>
          %get3A_595 = arith.index_cast %rem3A_362 : i32 to index
          %get3A_596 = arith.index_cast %add3A_554 : i32 to index
          %get3A_597 = arith.constant 80 : index
          %get3A_598 = tpu.vector_load %arg8[%get3A_595, %get3A_596, %get3A_597] {strides = array<i32>} : memref<2x128x128xf32, #tpu.memory_space<vmem>>, vector<1x1x16xf32>,
          %get3A_599 = vector.shape_cast %get3A_598 : vector<1x1x16xf32> to vector<16xf32>
          %add3A_600 = arith.addf %add3A_534, %get3A_599 : vector<16xf32>
          %min3A_601 = arith.minimumf %min3A_535, %get3A_599 : vector<16xf32>
          %max3A_602 = arith.maximumf %max3A_536, %get3A_599 : vector<16xf32>
          %get3A_603 = arith.index_cast %rem3A_362 : i32 to index
          %get3A_604 = arith.index_cast %add3A_554 : i32 to index
          %get3A_605 = arith.constant 96 : index
          %get3A_606 = tpu.vector_load %arg8[%get3A_603, %get3A_604, %get3A_605] {strides = array<i32>} : memref<2x128x128xf32, #tpu.memory_space<vmem>>, vector<1x1x16xf32>,
          %get3A_607 = vector.shape_cast %get3A_606 : vector<1x1x16xf32> to vector<16xf32>
          %add3A_608 = arith.addf %add3A_542, %get3A_607 : vector<16xf32>
          %min3A_609 = arith.minimumf %min3A_543, %get3A_607 : vector<16xf32>
          %max3A_610 = arith.maximumf %max3A_544, %get3A_607 : vector<16xf32>
          %get3A_611 = arith.index_cast %rem3A_362 : i32 to index
          %get3A_612 = arith.index_cast %add3A_554 : i32 to index
          %get3A_613 = arith.constant 112 : index
          %get3A_614 = tpu.vector_load %arg8[%get3A_611, %get3A_612, %get3A_613] {strides = array<i32>} : memref<2x128x128xf32, #tpu.memory_space<vmem>>, vector<1x1x16xf32>,
          %get3A_615 = vector.shape_cast %get3A_614 : vector<1x1x16xf32> to vector<16xf32>
          %add3A_616 = arith.addf %add3A_550, %get3A_615 : vector<16xf32>
          %min3A_617 = arith.minimumf %min3A_551, %get3A_615 : vector<16xf32>
          %max3A_618 = arith.maximumf %max3A_552, %get3A_615 : vector<16xf32>
          scf.yield %add3A_560, %add3A_568, %add3A_576, %add3A_584, %add3A_592, %add3A_600, %add3A_608, %add3A_616, %min3A_561, %min3A_569, %min3A_577, %min3A_585, %min3A_593, %min3A_601, %min3A_609, %min3A_617, %max3A_562, %max3A_570, %max3A_578, %max3A_586, %max3A_594, %max3A_602, %max3A_610, %max3A_618 : vector<16xf32>, vector<16xf32>, vector<16xf32>, vector<16xf32>, vector<16xf32>, vector<16xf32>, vector<16xf32>, vector<16xf32>, vector<16xf32>, vector<16xf32>, vector<16xf32>, vector<16xf32>, vector<16xf32>, vector<16xf32>, vector<16xf32>, vector<16xf32>, vector<16xf32>, vector<16xf32>, vector<16xf32>, vector<16xf32>, vector<16xf32>, vector<16xf32>, vector<16xf32>, vector<16xf32>
        }
        %mul3A_446 = arith.constant 2 : i32
        %mul3A_447 = arith.muli %select_n3A_434, %mul3A_446 : i32
        %add3A_448 = arith.addi %max3A_407, %mul3A_447 : i32
        %while3A_449 = arith.subi %min3A_409, %add3A_448 : i32
        %while3A_450 = arith.addi %add3A_448, %while3A_449 : i32
        %while3A_451 = arith.constant 1 : i32
        %while3A_452 = arith.divsi %while3A_449, %while3A_451 : i32
        %while3A_453 = arith.muli %while3A_452, %while3A_451 : i32
        %while3A_454 = arith.addi %add3A_448, %while3A_453 : i32
        %while3A_455 = arith.constant 1 : i32
        %while3A_456:24 = scf.for %while3A_459 = %add3A_448 to %while3A_454 step %while3A_455 iter_args(%while3A_460 = %while3A_445#0, %while3A_461 = %while3A_445#1, %while3A_462 = %while3A_445#2, %while3A_463 = %while3A_445#3, %while3A_464 = %while3A_445#4, %while3A_465 = %while3A_445#5, %while3A_466 = %while3A_445#6, %while3A_467 = %while3A_445#7, %while3A_468 = %while3A_445#8, %while3A_469 = %while3A_445#9, %while3A_470 = %while3A_445#10, %while3A_471 = %while3A_445#11, %while3A_472 = %while3A_445#12, %while3A_473 = %while3A_445#13, %while3A_474 = %while3A_445#14, %while3A_475 = %while3A_445#15, %while3A_476 = %while3A_445#16, %while3A_477 = %while3A_445#17, %while3A_478 = %while3A_445#18, %while3A_479 = %while3A_445#19, %while3A_480 = %while3A_445#20, %while3A_481 = %while3A_445#21, %while3A_482 = %while3A_445#22, %while3A_483 = %while3A_445#23) -> (vector<16xf32>, vector<16xf32>, vector<16xf32>, vector<16xf32>, vector<16xf32>, vector<16xf32>, vector<16xf32>, vector<16xf32>, vector<16xf32>, vector<16xf32>, vector<16xf32>, vector<16xf32>, vector<16xf32>, vector<16xf32>, vector<16xf32>, vector<16xf32>, vector<16xf32>, vector<16xf32>, vector<16xf32>, vector<16xf32>, vector<16xf32>, vector<16xf32>, vector<16xf32>, vector<16xf32>)  : i32 {
          %get3A_484 = arith.index_cast %rem3A_362 : i32 to index
          %get3A_485 = arith.index_cast %while3A_459 : i32 to index
          %get3A_486 = arith.constant 0 : index
          %get3A_487 = tpu.vector_load %arg8[%get3A_484, %get3A_485, %get3A_486] {strides = array<i32>} : memref<2x128x128xf32, #tpu.memory_space<vmem>>, vector<1x1x16xf32>,
          %get3A_488 = vector.shape_cast %get3A_487 : vector<1x1x16xf32> to vector<16xf32>
          %add3A_489 = arith.addf %while3A_460, %get3A_488 : vector<16xf32>
          %min3A_490 = arith.minimumf %while3A_468, %get3A_488 : vector<16xf32>
          %max3A_491 = arith.maximumf %while3A_476, %get3A_488 : vector<16xf32>
          %get3A_492 = arith.index_cast %rem3A_362 : i32 to index
          %get3A_493 = arith.index_cast %while3A_459 : i32 to index
          %get3A_494 = arith.constant 16 : index
          %get3A_495 = tpu.vector_load %arg8[%get3A_492, %get3A_493, %get3A_494] {strides = array<i32>} : memref<2x128x128xf32, #tpu.memory_space<vmem>>, vector<1x1x16xf32>,
          %get3A_496 = vector.shape_cast %get3A_495 : vector<1x1x16xf32> to vector<16xf32>
          %add3A_497 = arith.addf %while3A_461, %get3A_496 : vector<16xf32>
          %min3A_498 = arith.minimumf %while3A_469, %get3A_496 : vector<16xf32>
          %max3A_499 = arith.maximumf %while3A_477, %get3A_496 : vector<16xf32>
          %get3A_500 = arith.index_cast %rem3A_362 : i32 to index
          %get3A_501 = arith.index_cast %while3A_459 : i32 to index
          %get3A_502 = arith.constant 32 : index
          %get3A_503 = tpu.vector_load %arg8[%get3A_500, %get3A_501, %get3A_502] {strides = array<i32>} : memref<2x128x128xf32, #tpu.memory_space<vmem>>, vector<1x1x16xf32>,
          %get3A_504 = vector.shape_cast %get3A_503 : vector<1x1x16xf32> to vector<16xf32>
          %add3A_505 = arith.addf %while3A_462, %get3A_504 : vector<16xf32>
          %min3A_506 = arith.minimumf %while3A_470, %get3A_504 : vector<16xf32>
          %max3A_507 = arith.maximumf %while3A_478, %get3A_504 : vector<16xf32>
          %get3A_508 = arith.index_cast %rem3A_362 : i32 to index
          %get3A_509 = arith.index_cast %while3A_459 : i32 to index
          %get3A_510 = arith.constant 48 : index
          %get3A_511 = tpu.vector_load %arg8[%get3A_508, %get3A_509, %get3A_510] {strides = array<i32>} : memref<2x128x128xf32, #tpu.memory_space<vmem>>, vector<1x1x16xf32>,
          %get3A_512 = vector.shape_cast %get3A_511 : vector<1x1x16xf32> to vector<16xf32>
          %add3A_513 = arith.addf %while3A_463, %get3A_512 : vector<16xf32>
          %min3A_514 = arith.minimumf %while3A_471, %get3A_512 : vector<16xf32>
          %max3A_515 = arith.maximumf %while3A_479, %get3A_512 : vector<16xf32>
          %get3A_516 = arith.index_cast %rem3A_362 : i32 to index
          %get3A_517 = arith.index_cast %while3A_459 : i32 to index
          %get3A_518 = arith.constant 64 : index
          %get3A_519 = tpu.vector_load %arg8[%get3A_516, %get3A_517, %get3A_518] {strides = array<i32>} : memref<2x128x128xf32, #tpu.memory_space<vmem>>, vector<1x1x16xf32>,
          %get3A_520 = vector.shape_cast %get3A_519 : vector<1x1x16xf32> to vector<16xf32>
          %add3A_521 = arith.addf %while3A_464, %get3A_520 : vector<16xf32>
          %min3A_522 = arith.minimumf %while3A_472, %get3A_520 : vector<16xf32>
          %max3A_523 = arith.maximumf %while3A_480, %get3A_520 : vector<16xf32>
          %get3A_524 = arith.index_cast %rem3A_362 : i32 to index
          %get3A_525 = arith.index_cast %while3A_459 : i32 to index
          %get3A_526 = arith.constant 80 : index
          %get3A_527 = tpu.vector_load %arg8[%get3A_524, %get3A_525, %get3A_526] {strides = array<i32>} : memref<2x128x128xf32, #tpu.memory_space<vmem>>, vector<1x1x16xf32>,
          %get3A_528 = vector.shape_cast %get3A_527 : vector<1x1x16xf32> to vector<16xf32>
          %add3A_529 = arith.addf %while3A_465, %get3A_528 : vector<16xf32>
          %min3A_530 = arith.minimumf %while3A_473, %get3A_528 : vector<16xf32>
          %max3A_531 = arith.maximumf %while3A_481, %get3A_528 : vector<16xf32>
          %get3A_532 = arith.index_cast %rem3A_362 : i32 to index
          %get3A_533 = arith.index_cast %while3A_459 : i32 to index
          %get3A_534 = arith.constant 96 : index
          %get3A_535 = tpu.vector_load %arg8[%get3A_532, %get3A_533, %get3A_534] {strides = array<i32>} : memref<2x128x128xf32, #tpu.memory_space<vmem>>, vector<1x1x16xf32>,
          %get3A_536 = vector.shape_cast %get3A_535 : vector<1x1x16xf32> to vector<16xf32>
          %add3A_537 = arith.addf %while3A_466, %get3A_536 : vector<16xf32>
          %min3A_538 = arith.minimumf %while3A_474, %get3A_536 : vector<16xf32>
          %max3A_539 = arith.maximumf %while3A_482, %get3A_536 : vector<16xf32>
          %get3A_540 = arith.index_cast %rem3A_362 : i32 to index
          %get3A_541 = arith.index_cast %while3A_459 : i32 to index
          %get3A_542 = arith.constant 112 : index
          %get3A_543 = tpu.vector_load %arg8[%get3A_540, %get3A_541, %get3A_542] {strides = array<i32>} : memref<2x128x128xf32, #tpu.memory_space<vmem>>, vector<1x1x16xf32>,
          %get3A_544 = vector.shape_cast %get3A_543 : vector<1x1x16xf32> to vector<16xf32>
          %add3A_545 = arith.addf %while3A_467, %get3A_544 : vector<16xf32>
          %min3A_546 = arith.minimumf %while3A_475, %get3A_544 : vector<16xf32>
          %max3A_547 = arith.maximumf %while3A_483, %get3A_544 : vector<16xf32>
          scf.yield %add3A_489, %add3A_497, %add3A_505, %add3A_513, %add3A_521, %add3A_529, %add3A_537, %add3A_545, %min3A_490, %min3A_498, %min3A_506, %min3A_514, %min3A_522, %min3A_530, %min3A_538, %min3A_546, %max3A_491, %max3A_499, %max3A_507, %max3A_515, %max3A_523, %max3A_531, %max3A_539, %max3A_547 : vector<16xf32>, vector<16xf32>, vector<16xf32>, vector<16xf32>, vector<16xf32>, vector<16xf32>, vector<16xf32>, vector<16xf32>, vector<16xf32>, vector<16xf32>, vector<16xf32>, vector<16xf32>, vector<16xf32>, vector<16xf32>, vector<16xf32>, vector<16xf32>, vector<16xf32>, vector<16xf32>, vector<16xf32>, vector<16xf32>, vector<16xf32>, vector<16xf32>, vector<16xf32>, vector<16xf32>
        }
        %while3A_457 = arith.constant 1 : i32
        %while3A_458:24 = scf.for %while3A_459 = %while3A_454 to %while3A_450 step %while3A_457 iter_args(%while3A_460 = %while3A_456#0, %while3A_461 = %while3A_456#1, %while3A_462 = %while3A_456#2, %while3A_463 = %while3A_456#3, %while3A_464 = %while3A_456#4, %while3A_465 = %while3A_456#5, %while3A_466 = %while3A_456#6, %while3A_467 = %while3A_456#7, %while3A_468 = %while3A_456#8, %while3A_469 = %while3A_456#9, %while3A_470 = %while3A_456#10, %while3A_471 = %while3A_456#11, %while3A_472 = %while3A_456#12, %while3A_473 = %while3A_456#13, %while3A_474 = %while3A_456#14, %while3A_475 = %while3A_456#15, %while3A_476 = %while3A_456#16, %while3A_477 = %while3A_456#17, %while3A_478 = %while3A_456#18, %while3A_479 = %while3A_456#19, %while3A_480 = %while3A_456#20, %while3A_481 = %while3A_456#21, %while3A_482 = %while3A_456#22, %while3A_483 = %while3A_456#23) -> (vector<16xf32>, vector<16xf32>, vector<16xf32>, vector<16xf32>, vector<16xf32>, vector<16xf32>, vector<16xf32>, vector<16xf32>, vector<16xf32>, vector<16xf32>, vector<16xf32>, vector<16xf32>, vector<16xf32>, vector<16xf32>, vector<16xf32>, vector<16xf32>, vector<16xf32>, vector<16xf32>, vector<16xf32>, vector<16xf32>, vector<16xf32>, vector<16xf32>, vector<16xf32>, vector<16xf32>)  : i32 {
          %get3A_484 = arith.index_cast %rem3A_362 : i32 to index
          %get3A_485 = arith.index_cast %while3A_459 : i32 to index
          %get3A_486 = arith.constant 0 : index
          %get3A_487 = tpu.vector_load %arg8[%get3A_484, %get3A_485, %get3A_486] {strides = array<i32>} : memref<2x128x128xf32, #tpu.memory_space<vmem>>, vector<1x1x16xf32>,
          %get3A_488 = vector.shape_cast %get3A_487 : vector<1x1x16xf32> to vector<16xf32>
          %add3A_489 = arith.addf %while3A_460, %get3A_488 : vector<16xf32>
          %min3A_490 = arith.minimumf %while3A_468, %get3A_488 : vector<16xf32>
          %max3A_491 = arith.maximumf %while3A_476, %get3A_488 : vector<16xf32>
          %get3A_492 = arith.index_cast %rem3A_362 : i32 to index
          %get3A_493 = arith.index_cast %while3A_459 : i32 to index
          %get3A_494 = arith.constant 16 : index
          %get3A_495 = tpu.vector_load %arg8[%get3A_492, %get3A_493, %get3A_494] {strides = array<i32>} : memref<2x128x128xf32, #tpu.memory_space<vmem>>, vector<1x1x16xf32>,
          %get3A_496 = vector.shape_cast %get3A_495 : vector<1x1x16xf32> to vector<16xf32>
          %add3A_497 = arith.addf %while3A_461, %get3A_496 : vector<16xf32>
          %min3A_498 = arith.minimumf %while3A_469, %get3A_496 : vector<16xf32>
          %max3A_499 = arith.maximumf %while3A_477, %get3A_496 : vector<16xf32>
          %get3A_500 = arith.index_cast %rem3A_362 : i32 to index
          %get3A_501 = arith.index_cast %while3A_459 : i32 to index
          %get3A_502 = arith.constant 32 : index
          %get3A_503 = tpu.vector_load %arg8[%get3A_500, %get3A_501, %get3A_502] {strides = array<i32>} : memref<2x128x128xf32, #tpu.memory_space<vmem>>, vector<1x1x16xf32>,
          %get3A_504 = vector.shape_cast %get3A_503 : vector<1x1x16xf32> to vector<16xf32>
          %add3A_505 = arith.addf %while3A_462, %get3A_504 : vector<16xf32>
          %min3A_506 = arith.minimumf %while3A_470, %get3A_504 : vector<16xf32>
          %max3A_507 = arith.maximumf %while3A_478, %get3A_504 : vector<16xf32>
          %get3A_508 = arith.index_cast %rem3A_362 : i32 to index
          %get3A_509 = arith.index_cast %while3A_459 : i32 to index
          %get3A_510 = arith.constant 48 : index
          %get3A_511 = tpu.vector_load %arg8[%get3A_508, %get3A_509, %get3A_510] {strides = array<i32>} : memref<2x128x128xf32, #tpu.memory_space<vmem>>, vector<1x1x16xf32>,
          %get3A_512 = vector.shape_cast %get3A_511 : vector<1x1x16xf32> to vector<16xf32>
          %add3A_513 = arith.addf %while3A_463, %get3A_512 : vector<16xf32>
          %min3A_514 = arith.minimumf %while3A_471, %get3A_512 : vector<16xf32>
          %max3A_515 = arith.maximumf %while3A_479, %get3A_512 : vector<16xf32>
          %get3A_516 = arith.index_cast %rem3A_362 : i32 to index
          %get3A_517 = arith.index_cast %while3A_459 : i32 to index
          %get3A_518 = arith.constant 64 : index
          %get3A_519 = tpu.vector_load %arg8[%get3A_516, %get3A_517, %get3A_518] {strides = array<i32>} : memref<2x128x128xf32, #tpu.memory_space<vmem>>, vector<1x1x16xf32>,
          %get3A_520 = vector.shape_cast %get3A_519 : vector<1x1x16xf32> to vector<16xf32>
          %add3A_521 = arith.addf %while3A_464, %get3A_520 : vector<16xf32>
          %min3A_522 = arith.minimumf %while3A_472, %get3A_520 : vector<16xf32>
          %max3A_523 = arith.maximumf %while3A_480, %get3A_520 : vector<16xf32>
          %get3A_524 = arith.index_cast %rem3A_362 : i32 to index
          %get3A_525 = arith.index_cast %while3A_459 : i32 to index
          %get3A_526 = arith.constant 80 : index
          %get3A_527 = tpu.vector_load %arg8[%get3A_524, %get3A_525, %get3A_526] {strides = array<i32>} : memref<2x128x128xf32, #tpu.memory_space<vmem>>, vector<1x1x16xf32>,
          %get3A_528 = vector.shape_cast %get3A_527 : vector<1x1x16xf32> to vector<16xf32>
          %add3A_529 = arith.addf %while3A_465, %get3A_528 : vector<16xf32>
          %min3A_530 = arith.minimumf %while3A_473, %get3A_528 : vector<16xf32>
          %max3A_531 = arith.maximumf %while3A_481, %get3A_528 : vector<16xf32>
          %get3A_532 = arith.index_cast %rem3A_362 : i32 to index
          %get3A_533 = arith.index_cast %while3A_459 : i32 to index
          %get3A_534 = arith.constant 96 : index
          %get3A_535 = tpu.vector_load %arg8[%get3A_532, %get3A_533, %get3A_534] {strides = array<i32>} : memref<2x128x128xf32, #tpu.memory_space<vmem>>, vector<1x1x16xf32>,
          %get3A_536 = vector.shape_cast %get3A_535 : vector<1x1x16xf32> to vector<16xf32>
          %add3A_537 = arith.addf %while3A_466, %get3A_536 : vector<16xf32>
          %min3A_538 = arith.minimumf %while3A_474, %get3A_536 : vector<16xf32>
          %max3A_539 = arith.maximumf %while3A_482, %get3A_536 : vector<16xf32>
          %get3A_540 = arith.index_cast %rem3A_362 : i32 to index
          %get3A_541 = arith.index_cast %while3A_459 : i32 to index
          %get3A_542 = arith.constant 112 : index
          %get3A_543 = tpu.vector_load %arg8[%get3A_540, %get3A_541, %get3A_542] {strides = array<i32>} : memref<2x128x128xf32, #tpu.memory_space<vmem>>, vector<1x1x16xf32>,
          %get3A_544 = vector.shape_cast %get3A_543 : vector<1x1x16xf32> to vector<16xf32>
          %add3A_545 = arith.addf %while3A_467, %get3A_544 : vector<16xf32>
          %min3A_546 = arith.minimumf %while3A_475, %get3A_544 : vector<16xf32>
          %max3A_547 = arith.maximumf %while3A_483, %get3A_544 : vector<16xf32>
          scf.yield %add3A_489, %add3A_497, %add3A_505, %add3A_513, %add3A_521, %add3A_529, %add3A_537, %add3A_545, %min3A_490, %min3A_498, %min3A_506, %min3A_514, %min3A_522, %min3A_530, %min3A_538, %min3A_546, %max3A_491, %max3A_499, %max3A_507, %max3A_515, %max3A_523, %max3A_531, %max3A_539, %max3A_547 : vector<16xf32>, vector<16xf32>, vector<16xf32>, vector<16xf32>, vector<16xf32>, vector<16xf32>, vector<16xf32>, vector<16xf32>, vector<16xf32>, vector<16xf32>, vector<16xf32>, vector<16xf32>, vector<16xf32>, vector<16xf32>, vector<16xf32>, vector<16xf32>, vector<16xf32>, vector<16xf32>, vector<16xf32>, vector<16xf32>, vector<16xf32>, vector<16xf32>, vector<16xf32>, vector<16xf32>
        }
        scf.yield %while3A_458#0, %while3A_458#1, %while3A_458#2, %while3A_458#3, %while3A_458#4, %while3A_458#5, %while3A_458#6, %while3A_458#7, %while3A_458#8, %while3A_458#9, %while3A_458#10, %while3A_458#11, %while3A_458#12, %while3A_458#13, %while3A_458#14, %while3A_458#15, %while3A_458#16, %while3A_458#17, %while3A_458#18, %while3A_458#19, %while3A_458#20, %while3A_458#21, %while3A_458#22, %while3A_458#23 : vector<16xf32>, vector<16xf32>, vector<16xf32>, vector<16xf32>, vector<16xf32>, vector<16xf32>, vector<16xf32>, vector<16xf32>, vector<16xf32>, vector<16xf32>, vector<16xf32>, vector<16xf32>, vector<16xf32>, vector<16xf32>, vector<16xf32>, vector<16xf32>, vector<16xf32>, vector<16xf32>, vector<16xf32>, vector<16xf32>, vector<16xf32>, vector<16xf32>, vector<16xf32>, vector<16xf32>
      }
      %sub3A_99 = arith.subi %squeeze3A_17, %squeeze3A : i32
      %broadcast_in_dim3A_100 = arith.constant 1.000000e+00 : f32
      %broadcast_in_dim3A_101 = vector.broadcast %broadcast_in_dim3A_100 : f32 to vector<16xf32>
      %convert_element_type3A_102 = arith.sitofp %sub3A_99 : i32 to f32
      %max3A = arith.constant 1.000000e+00 : f32
      %max3A_103 = arith.maximumf %convert_element_type3A_102, %max3A : f32
      %mul3A_104 = vector.broadcast %max3A_103 : f32 to vector<16xf32>
      %mul3A_105 = arith.mulf %broadcast_in_dim3A_101, %mul3A_104 : vector<16xf32>
      %gt3A_106 = arith.constant 0 : i32
      %gt3A_107 = arith.cmpi sgt, %sub3A_99, %gt3A_106 : i32
      %swap3A = arith.index_cast %scan3A_10 : i32 to index
      %swap3A_108 = arith.constant 0 : index
      %swap3A_109 = tpu.vector_load %arg9[%swap3A, %swap3A_108] {strides = array<i32>} : memref<64x512xf32, #tpu.memory_space<vmem>>, vector<1x16xf32>,
      %swap3A_110 = vector.shape_cast %swap3A_109 : vector<1x16xf32> to vector<16xf32>
      %swap3A_111 = vector.shape_cast %while3A_98#0 : vector<16xf32> to vector<1x16xf32>
      tpu.vector_store %arg9[%swap3A, %swap3A_108], %swap3A_111 {strides = array<i32>} : memref<64x512xf32, #tpu.memory_space<vmem>>, vector<1x16xf32>,
      %div3A_112 = arith.divf %while3A_98#0, %mul3A_105 : vector<16xf32>
      %swap3A_113 = arith.index_cast %scan3A_10 : i32 to index
      %swap3A_114 = arith.constant 128 : index
      %swap3A_115 = tpu.vector_load %arg9[%swap3A_113, %swap3A_114] {strides = array<i32>} : memref<64x512xf32, #tpu.memory_space<vmem>>, vector<1x16xf32>,
      %swap3A_116 = vector.shape_cast %swap3A_115 : vector<1x16xf32> to vector<16xf32>
      %swap3A_117 = vector.shape_cast %div3A_112 : vector<16xf32> to vector<1x16xf32>
      tpu.vector_store %arg9[%swap3A_113, %swap3A_114], %swap3A_117 {strides = array<i32>} : memref<64x512xf32, #tpu.memory_space<vmem>>, vector<1x16xf32>,
      %jit3A_118 = arith.constant 0.000000e+00 : f32
      %broadcast_in_dim3A_119 = vector.broadcast %jit3A_118 : f32 to vector<16xf32>
      %select_n3A_120 = arith.select %gt3A_107, %while3A_98#8, %broadcast_in_dim3A_119 : vector<16xf32>
      %swap3A_121 = arith.index_cast %scan3A_10 : i32 to index
      %swap3A_122 = arith.constant 256 : index
      %swap3A_123 = tpu.vector_load %arg9[%swap3A_121, %swap3A_122] {strides = array<i32>} : memref<64x512xf32, #tpu.memory_space<vmem>>, vector<1x16xf32>,
      %swap3A_124 = vector.shape_cast %swap3A_123 : vector<1x16xf32> to vector<16xf32>
      %swap3A_125 = vector.shape_cast %select_n3A_120 : vector<16xf32> to vector<1x16xf32>
      tpu.vector_store %arg9[%swap3A_121, %swap3A_122], %swap3A_125 {strides = array<i32>} : memref<64x512xf32, #tpu.memory_space<vmem>>, vector<1x16xf32>,
      %jit3A_126 = arith.constant 0.000000e+00 : f32
      %broadcast_in_dim3A_127 = vector.broadcast %jit3A_126 : f32 to vector<16xf32>
      %select_n3A_128 = arith.select %gt3A_107, %while3A_98#16, %broadcast_in_dim3A_127 : vector<16xf32>
      %swap3A_129 = arith.index_cast %scan3A_10 : i32 to index
      %swap3A_130 = arith.constant 384 : index
      %swap3A_131 = tpu.vector_load %arg9[%swap3A_129, %swap3A_130] {strides = array<i32>} : memref<64x512xf32, #tpu.memory_space<vmem>>, vector<1x16xf32>,
      %swap3A_132 = vector.shape_cast %swap3A_131 : vector<1x16xf32> to vector<16xf32>
      %swap3A_133 = vector.shape_cast %select_n3A_128 : vector<16xf32> to vector<1x16xf32>
      tpu.vector_store %arg9[%swap3A_129, %swap3A_130], %swap3A_133 {strides = array<i32>} : memref<64x512xf32, #tpu.memory_space<vmem>>, vector<1x16xf32>,
      %swap3A_134 = arith.index_cast %scan3A_10 : i32 to index
      %swap3A_135 = arith.constant 16 : index
      %swap3A_136 = tpu.vector_load %arg9[%swap3A_134, %swap3A_135] {strides = array<i32>} : memref<64x512xf32, #tpu.memory_space<vmem>>, vector<1x16xf32>,
      %swap3A_137 = vector.shape_cast %swap3A_136 : vector<1x16xf32> to vector<16xf32>
      %swap3A_138 = vector.shape_cast %while3A_98#1 : vector<16xf32> to vector<1x16xf32>
      tpu.vector_store %arg9[%swap3A_134, %swap3A_135], %swap3A_138 {strides = array<i32>} : memref<64x512xf32, #tpu.memory_space<vmem>>, vector<1x16xf32>,
      %div3A_139 = arith.divf %while3A_98#1, %mul3A_105 : vector<16xf32>
      %swap3A_140 = arith.index_cast %scan3A_10 : i32 to index
      %swap3A_141 = arith.constant 144 : index
      %swap3A_142 = tpu.vector_load %arg9[%swap3A_140, %swap3A_141] {strides = array<i32>} : memref<64x512xf32, #tpu.memory_space<vmem>>, vector<1x16xf32>,
      %swap3A_143 = vector.shape_cast %swap3A_142 : vector<1x16xf32> to vector<16xf32>
      %swap3A_144 = vector.shape_cast %div3A_139 : vector<16xf32> to vector<1x16xf32>
      tpu.vector_store %arg9[%swap3A_140, %swap3A_141], %swap3A_144 {strides = array<i32>} : memref<64x512xf32, #tpu.memory_space<vmem>>, vector<1x16xf32>,
      %jit3A_145 = arith.constant 0.000000e+00 : f32
      %broadcast_in_dim3A_146 = vector.broadcast %jit3A_145 : f32 to vector<16xf32>
      %select_n3A_147 = arith.select %gt3A_107, %while3A_98#9, %broadcast_in_dim3A_146 : vector<16xf32>
      %swap3A_148 = arith.index_cast %scan3A_10 : i32 to index
      %swap3A_149 = arith.constant 272 : index
      %swap3A_150 = tpu.vector_load %arg9[%swap3A_148, %swap3A_149] {strides = array<i32>} : memref<64x512xf32, #tpu.memory_space<vmem>>, vector<1x16xf32>,
      %swap3A_151 = vector.shape_cast %swap3A_150 : vector<1x16xf32> to vector<16xf32>
      %swap3A_152 = vector.shape_cast %select_n3A_147 : vector<16xf32> to vector<1x16xf32>
      tpu.vector_store %arg9[%swap3A_148, %swap3A_149], %swap3A_152 {strides = array<i32>} : memref<64x512xf32, #tpu.memory_space<vmem>>, vector<1x16xf32>,
      %jit3A_153 = arith.constant 0.000000e+00 : f32
      %broadcast_in_dim3A_154 = vector.broadcast %jit3A_153 : f32 to vector<16xf32>
      %select_n3A_155 = arith.select %gt3A_107, %while3A_98#17, %broadcast_in_dim3A_154 : vector<16xf32>
      %swap3A_156 = arith.index_cast %scan3A_10 : i32 to index
      %swap3A_157 = arith.constant 400 : index
      %swap3A_158 = tpu.vector_load %arg9[%swap3A_156, %swap3A_157] {strides = array<i32>} : memref<64x512xf32, #tpu.memory_space<vmem>>, vector<1x16xf32>,
      %swap3A_159 = vector.shape_cast %swap3A_158 : vector<1x16xf32> to vector<16xf32>
      %swap3A_160 = vector.shape_cast %select_n3A_155 : vector<16xf32> to vector<1x16xf32>
      tpu.vector_store %arg9[%swap3A_156, %swap3A_157], %swap3A_160 {strides = array<i32>} : memref<64x512xf32, #tpu.memory_space<vmem>>, vector<1x16xf32>,
      %swap3A_161 = arith.index_cast %scan3A_10 : i32 to index
      %swap3A_162 = arith.constant 32 : index
      %swap3A_163 = tpu.vector_load %arg9[%swap3A_161, %swap3A_162] {strides = array<i32>} : memref<64x512xf32, #tpu.memory_space<vmem>>, vector<1x16xf32>,
      %swap3A_164 = vector.shape_cast %swap3A_163 : vector<1x16xf32> to vector<16xf32>
      %swap3A_165 = vector.shape_cast %while3A_98#2 : vector<16xf32> to vector<1x16xf32>
      tpu.vector_store %arg9[%swap3A_161, %swap3A_162], %swap3A_165 {strides = array<i32>} : memref<64x512xf32, #tpu.memory_space<vmem>>, vector<1x16xf32>,
      %div3A_166 = arith.divf %while3A_98#2, %mul3A_105 : vector<16xf32>
      %swap3A_167 = arith.index_cast %scan3A_10 : i32 to index
      %swap3A_168 = arith.constant 160 : index
      %swap3A_169 = tpu.vector_load %arg9[%swap3A_167, %swap3A_168] {strides = array<i32>} : memref<64x512xf32, #tpu.memory_space<vmem>>, vector<1x16xf32>,
      %swap3A_170 = vector.shape_cast %swap3A_169 : vector<1x16xf32> to vector<16xf32>
      %swap3A_171 = vector.shape_cast %div3A_166 : vector<16xf32> to vector<1x16xf32>
      tpu.vector_store %arg9[%swap3A_167, %swap3A_168], %swap3A_171 {strides = array<i32>} : memref<64x512xf32, #tpu.memory_space<vmem>>, vector<1x16xf32>,
      %jit3A_172 = arith.constant 0.000000e+00 : f32
      %broadcast_in_dim3A_173 = vector.broadcast %jit3A_172 : f32 to vector<16xf32>
      %select_n3A_174 = arith.select %gt3A_107, %while3A_98#10, %broadcast_in_dim3A_173 : vector<16xf32>
      %swap3A_175 = arith.index_cast %scan3A_10 : i32 to index
      %swap3A_176 = arith.constant 288 : index
      %swap3A_177 = tpu.vector_load %arg9[%swap3A_175, %swap3A_176] {strides = array<i32>} : memref<64x512xf32, #tpu.memory_space<vmem>>, vector<1x16xf32>,
      %swap3A_178 = vector.shape_cast %swap3A_177 : vector<1x16xf32> to vector<16xf32>
      %swap3A_179 = vector.shape_cast %select_n3A_174 : vector<16xf32> to vector<1x16xf32>
      tpu.vector_store %arg9[%swap3A_175, %swap3A_176], %swap3A_179 {strides = array<i32>} : memref<64x512xf32, #tpu.memory_space<vmem>>, vector<1x16xf32>,
      %jit3A_180 = arith.constant 0.000000e+00 : f32
      %broadcast_in_dim3A_181 = vector.broadcast %jit3A_180 : f32 to vector<16xf32>
      %select_n3A_182 = arith.select %gt3A_107, %while3A_98#18, %broadcast_in_dim3A_181 : vector<16xf32>
      %swap3A_183 = arith.index_cast %scan3A_10 : i32 to index
      %swap3A_184 = arith.constant 416 : index
      %swap3A_185 = tpu.vector_load %arg9[%swap3A_183, %swap3A_184] {strides = array<i32>} : memref<64x512xf32, #tpu.memory_space<vmem>>, vector<1x16xf32>,
      %swap3A_186 = vector.shape_cast %swap3A_185 : vector<1x16xf32> to vector<16xf32>
      %swap3A_187 = vector.shape_cast %select_n3A_182 : vector<16xf32> to vector<1x16xf32>
      tpu.vector_store %arg9[%swap3A_183, %swap3A_184], %swap3A_187 {strides = array<i32>} : memref<64x512xf32, #tpu.memory_space<vmem>>, vector<1x16xf32>,
      %swap3A_188 = arith.index_cast %scan3A_10 : i32 to index
      %swap3A_189 = arith.constant 48 : index
      %swap3A_190 = tpu.vector_load %arg9[%swap3A_188, %swap3A_189] {strides = array<i32>} : memref<64x512xf32, #tpu.memory_space<vmem>>, vector<1x16xf32>,
      %swap3A_191 = vector.shape_cast %swap3A_190 : vector<1x16xf32> to vector<16xf32>
      %swap3A_192 = vector.shape_cast %while3A_98#3 : vector<16xf32> to vector<1x16xf32>
      tpu.vector_store %arg9[%swap3A_188, %swap3A_189], %swap3A_192 {strides = array<i32>} : memref<64x512xf32, #tpu.memory_space<vmem>>, vector<1x16xf32>,
      %div3A_193 = arith.divf %while3A_98#3, %mul3A_105 : vector<16xf32>
      %swap3A_194 = arith.index_cast %scan3A_10 : i32 to index
      %swap3A_195 = arith.constant 176 : index
      %swap3A_196 = tpu.vector_load %arg9[%swap3A_194, %swap3A_195] {strides = array<i32>} : memref<64x512xf32, #tpu.memory_space<vmem>>, vector<1x16xf32>,
      %swap3A_197 = vector.shape_cast %swap3A_196 : vector<1x16xf32> to vector<16xf32>
      %swap3A_198 = vector.shape_cast %div3A_193 : vector<16xf32> to vector<1x16xf32>
      tpu.vector_store %arg9[%swap3A_194, %swap3A_195], %swap3A_198 {strides = array<i32>} : memref<64x512xf32, #tpu.memory_space<vmem>>, vector<1x16xf32>,
      %jit3A_199 = arith.constant 0.000000e+00 : f32
      %broadcast_in_dim3A_200 = vector.broadcast %jit3A_199 : f32 to vector<16xf32>
      %select_n3A_201 = arith.select %gt3A_107, %while3A_98#11, %broadcast_in_dim3A_200 : vector<16xf32>
      %swap3A_202 = arith.index_cast %scan3A_10 : i32 to index
      %swap3A_203 = arith.constant 304 : index
      %swap3A_204 = tpu.vector_load %arg9[%swap3A_202, %swap3A_203] {strides = array<i32>} : memref<64x512xf32, #tpu.memory_space<vmem>>, vector<1x16xf32>,
      %swap3A_205 = vector.shape_cast %swap3A_204 : vector<1x16xf32> to vector<16xf32>
      %swap3A_206 = vector.shape_cast %select_n3A_201 : vector<16xf32> to vector<1x16xf32>
      tpu.vector_store %arg9[%swap3A_202, %swap3A_203], %swap3A_206 {strides = array<i32>} : memref<64x512xf32, #tpu.memory_space<vmem>>, vector<1x16xf32>,
      %jit3A_207 = arith.constant 0.000000e+00 : f32
      %broadcast_in_dim3A_208 = vector.broadcast %jit3A_207 : f32 to vector<16xf32>
      %select_n3A_209 = arith.select %gt3A_107, %while3A_98#19, %broadcast_in_dim3A_208 : vector<16xf32>
      %swap3A_210 = arith.index_cast %scan3A_10 : i32 to index
      %swap3A_211 = arith.constant 432 : index
      %swap3A_212 = tpu.vector_load %arg9[%swap3A_210, %swap3A_211] {strides = array<i32>} : memref<64x512xf32, #tpu.memory_space<vmem>>, vector<1x16xf32>,
      %swap3A_213 = vector.shape_cast %swap3A_212 : vector<1x16xf32> to vector<16xf32>
      %swap3A_214 = vector.shape_cast %select_n3A_209 : vector<16xf32> to vector<1x16xf32>
      tpu.vector_store %arg9[%swap3A_210, %swap3A_211], %swap3A_214 {strides = array<i32>} : memref<64x512xf32, #tpu.memory_space<vmem>>, vector<1x16xf32>,
      %swap3A_215 = arith.index_cast %scan3A_10 : i32 to index
      %swap3A_216 = arith.constant 64 : index
      %swap3A_217 = tpu.vector_load %arg9[%swap3A_215, %swap3A_216] {strides = array<i32>} : memref<64x512xf32, #tpu.memory_space<vmem>>, vector<1x16xf32>,
      %swap3A_218 = vector.shape_cast %swap3A_217 : vector<1x16xf32> to vector<16xf32>
      %swap3A_219 = vector.shape_cast %while3A_98#4 : vector<16xf32> to vector<1x16xf32>
      tpu.vector_store %arg9[%swap3A_215, %swap3A_216], %swap3A_219 {strides = array<i32>} : memref<64x512xf32, #tpu.memory_space<vmem>>, vector<1x16xf32>,
      %div3A_220 = arith.divf %while3A_98#4, %mul3A_105 : vector<16xf32>
      %swap3A_221 = arith.index_cast %scan3A_10 : i32 to index
      %swap3A_222 = arith.constant 192 : index
      %swap3A_223 = tpu.vector_load %arg9[%swap3A_221, %swap3A_222] {strides = array<i32>} : memref<64x512xf32, #tpu.memory_space<vmem>>, vector<1x16xf32>,
      %swap3A_224 = vector.shape_cast %swap3A_223 : vector<1x16xf32> to vector<16xf32>
      %swap3A_225 = vector.shape_cast %div3A_220 : vector<16xf32> to vector<1x16xf32>
      tpu.vector_store %arg9[%swap3A_221, %swap3A_222], %swap3A_225 {strides = array<i32>} : memref<64x512xf32, #tpu.memory_space<vmem>>, vector<1x16xf32>,
      %jit3A_226 = arith.constant 0.000000e+00 : f32
      %broadcast_in_dim3A_227 = vector.broadcast %jit3A_226 : f32 to vector<16xf32>
      %select_n3A_228 = arith.select %gt3A_107, %while3A_98#12, %broadcast_in_dim3A_227 : vector<16xf32>
      %swap3A_229 = arith.index_cast %scan3A_10 : i32 to index
      %swap3A_230 = arith.constant 320 : index
      %swap3A_231 = tpu.vector_load %arg9[%swap3A_229, %swap3A_230] {strides = array<i32>} : memref<64x512xf32, #tpu.memory_space<vmem>>, vector<1x16xf32>,
      %swap3A_232 = vector.shape_cast %swap3A_231 : vector<1x16xf32> to vector<16xf32>
      %swap3A_233 = vector.shape_cast %select_n3A_228 : vector<16xf32> to vector<1x16xf32>
      tpu.vector_store %arg9[%swap3A_229, %swap3A_230], %swap3A_233 {strides = array<i32>} : memref<64x512xf32, #tpu.memory_space<vmem>>, vector<1x16xf32>,
      %jit3A_234 = arith.constant 0.000000e+00 : f32
      %broadcast_in_dim3A_235 = vector.broadcast %jit3A_234 : f32 to vector<16xf32>
      %select_n3A_236 = arith.select %gt3A_107, %while3A_98#20, %broadcast_in_dim3A_235 : vector<16xf32>
      %swap3A_237 = arith.index_cast %scan3A_10 : i32 to index
      %swap3A_238 = arith.constant 448 : index
      %swap3A_239 = tpu.vector_load %arg9[%swap3A_237, %swap3A_238] {strides = array<i32>} : memref<64x512xf32, #tpu.memory_space<vmem>>, vector<1x16xf32>,
      %swap3A_240 = vector.shape_cast %swap3A_239 : vector<1x16xf32> to vector<16xf32>
      %swap3A_241 = vector.shape_cast %select_n3A_236 : vector<16xf32> to vector<1x16xf32>
      tpu.vector_store %arg9[%swap3A_237, %swap3A_238], %swap3A_241 {strides = array<i32>} : memref<64x512xf32, #tpu.memory_space<vmem>>, vector<1x16xf32>,
      %swap3A_242 = arith.index_cast %scan3A_10 : i32 to index
      %swap3A_243 = arith.constant 80 : index
      %swap3A_244 = tpu.vector_load %arg9[%swap3A_242, %swap3A_243] {strides = array<i32>} : memref<64x512xf32, #tpu.memory_space<vmem>>, vector<1x16xf32>,
      %swap3A_245 = vector.shape_cast %swap3A_244 : vector<1x16xf32> to vector<16xf32>
      %swap3A_246 = vector.shape_cast %while3A_98#5 : vector<16xf32> to vector<1x16xf32>
      tpu.vector_store %arg9[%swap3A_242, %swap3A_243], %swap3A_246 {strides = array<i32>} : memref<64x512xf32, #tpu.memory_space<vmem>>, vector<1x16xf32>,
      %div3A_247 = arith.divf %while3A_98#5, %mul3A_105 : vector<16xf32>
      %swap3A_248 = arith.index_cast %scan3A_10 : i32 to index
      %swap3A_249 = arith.constant 208 : index
      %swap3A_250 = tpu.vector_load %arg9[%swap3A_248, %swap3A_249] {strides = array<i32>} : memref<64x512xf32, #tpu.memory_space<vmem>>, vector<1x16xf32>,
      %swap3A_251 = vector.shape_cast %swap3A_250 : vector<1x16xf32> to vector<16xf32>
      %swap3A_252 = vector.shape_cast %div3A_247 : vector<16xf32> to vector<1x16xf32>
      tpu.vector_store %arg9[%swap3A_248, %swap3A_249], %swap3A_252 {strides = array<i32>} : memref<64x512xf32, #tpu.memory_space<vmem>>, vector<1x16xf32>,
      %jit3A_253 = arith.constant 0.000000e+00 : f32
      %broadcast_in_dim3A_254 = vector.broadcast %jit3A_253 : f32 to vector<16xf32>
      %select_n3A_255 = arith.select %gt3A_107, %while3A_98#13, %broadcast_in_dim3A_254 : vector<16xf32>
      %swap3A_256 = arith.index_cast %scan3A_10 : i32 to index
      %swap3A_257 = arith.constant 336 : index
      %swap3A_258 = tpu.vector_load %arg9[%swap3A_256, %swap3A_257] {strides = array<i32>} : memref<64x512xf32, #tpu.memory_space<vmem>>, vector<1x16xf32>,
      %swap3A_259 = vector.shape_cast %swap3A_258 : vector<1x16xf32> to vector<16xf32>
      %swap3A_260 = vector.shape_cast %select_n3A_255 : vector<16xf32> to vector<1x16xf32>
      tpu.vector_store %arg9[%swap3A_256, %swap3A_257], %swap3A_260 {strides = array<i32>} : memref<64x512xf32, #tpu.memory_space<vmem>>, vector<1x16xf32>,
      %jit3A_261 = arith.constant 0.000000e+00 : f32
      %broadcast_in_dim3A_262 = vector.broadcast %jit3A_261 : f32 to vector<16xf32>
      %select_n3A_263 = arith.select %gt3A_107, %while3A_98#21, %broadcast_in_dim3A_262 : vector<16xf32>
      %swap3A_264 = arith.index_cast %scan3A_10 : i32 to index
      %swap3A_265 = arith.constant 464 : index
      %swap3A_266 = tpu.vector_load %arg9[%swap3A_264, %swap3A_265] {strides = array<i32>} : memref<64x512xf32, #tpu.memory_space<vmem>>, vector<1x16xf32>,
      %swap3A_267 = vector.shape_cast %swap3A_266 : vector<1x16xf32> to vector<16xf32>
      %swap3A_268 = vector.shape_cast %select_n3A_263 : vector<16xf32> to vector<1x16xf32>
      tpu.vector_store %arg9[%swap3A_264, %swap3A_265], %swap3A_268 {strides = array<i32>} : memref<64x512xf32, #tpu.memory_space<vmem>>, vector<1x16xf32>,
      %swap3A_269 = arith.index_cast %scan3A_10 : i32 to index
      %swap3A_270 = arith.constant 96 : index
      %swap3A_271 = tpu.vector_load %arg9[%swap3A_269, %swap3A_270] {strides = array<i32>} : memref<64x512xf32, #tpu.memory_space<vmem>>, vector<1x16xf32>,
      %swap3A_272 = vector.shape_cast %swap3A_271 : vector<1x16xf32> to vector<16xf32>
      %swap3A_273 = vector.shape_cast %while3A_98#6 : vector<16xf32> to vector<1x16xf32>
      tpu.vector_store %arg9[%swap3A_269, %swap3A_270], %swap3A_273 {strides = array<i32>} : memref<64x512xf32, #tpu.memory_space<vmem>>, vector<1x16xf32>,
      %div3A_274 = arith.divf %while3A_98#6, %mul3A_105 : vector<16xf32>
      %swap3A_275 = arith.index_cast %scan3A_10 : i32 to index
      %swap3A_276 = arith.constant 224 : index
      %swap3A_277 = tpu.vector_load %arg9[%swap3A_275, %swap3A_276] {strides = array<i32>} : memref<64x512xf32, #tpu.memory_space<vmem>>, vector<1x16xf32>,
      %swap3A_278 = vector.shape_cast %swap3A_277 : vector<1x16xf32> to vector<16xf32>
      %swap3A_279 = vector.shape_cast %div3A_274 : vector<16xf32> to vector<1x16xf32>
      tpu.vector_store %arg9[%swap3A_275, %swap3A_276], %swap3A_279 {strides = array<i32>} : memref<64x512xf32, #tpu.memory_space<vmem>>, vector<1x16xf32>,
      %jit3A_280 = arith.constant 0.000000e+00 : f32
      %broadcast_in_dim3A_281 = vector.broadcast %jit3A_280 : f32 to vector<16xf32>
      %select_n3A_282 = arith.select %gt3A_107, %while3A_98#14, %broadcast_in_dim3A_281 : vector<16xf32>
      %swap3A_283 = arith.index_cast %scan3A_10 : i32 to index
      %swap3A_284 = arith.constant 352 : index
      %swap3A_285 = tpu.vector_load %arg9[%swap3A_283, %swap3A_284] {strides = array<i32>} : memref<64x512xf32, #tpu.memory_space<vmem>>, vector<1x16xf32>,
      %swap3A_286 = vector.shape_cast %swap3A_285 : vector<1x16xf32> to vector<16xf32>
      %swap3A_287 = vector.shape_cast %select_n3A_282 : vector<16xf32> to vector<1x16xf32>
      tpu.vector_store %arg9[%swap3A_283, %swap3A_284], %swap3A_287 {strides = array<i32>} : memref<64x512xf32, #tpu.memory_space<vmem>>, vector<1x16xf32>,
      %jit3A_288 = arith.constant 0.000000e+00 : f32
      %broadcast_in_dim3A_289 = vector.broadcast %jit3A_288 : f32 to vector<16xf32>
      %select_n3A_290 = arith.select %gt3A_107, %while3A_98#22, %broadcast_in_dim3A_289 : vector<16xf32>
      %swap3A_291 = arith.index_cast %scan3A_10 : i32 to index
      %swap3A_292 = arith.constant 480 : index
      %swap3A_293 = tpu.vector_load %arg9[%swap3A_291, %swap3A_292] {strides = array<i32>} : memref<64x512xf32, #tpu.memory_space<vmem>>, vector<1x16xf32>,
      %swap3A_294 = vector.shape_cast %swap3A_293 : vector<1x16xf32> to vector<16xf32>
      %swap3A_295 = vector.shape_cast %select_n3A_290 : vector<16xf32> to vector<1x16xf32>
      tpu.vector_store %arg9[%swap3A_291, %swap3A_292], %swap3A_295 {strides = array<i32>} : memref<64x512xf32, #tpu.memory_space<vmem>>, vector<1x16xf32>,
      %swap3A_296 = arith.index_cast %scan3A_10 : i32 to index
      %swap3A_297 = arith.constant 112 : index
      %swap3A_298 = tpu.vector_load %arg9[%swap3A_296, %swap3A_297] {strides = array<i32>} : memref<64x512xf32, #tpu.memory_space<vmem>>, vector<1x16xf32>,
      %swap3A_299 = vector.shape_cast %swap3A_298 : vector<1x16xf32> to vector<16xf32>
      %swap3A_300 = vector.shape_cast %while3A_98#7 : vector<16xf32> to vector<1x16xf32>
      tpu.vector_store %arg9[%swap3A_296, %swap3A_297], %swap3A_300 {strides = array<i32>} : memref<64x512xf32, #tpu.memory_space<vmem>>, vector<1x16xf32>,
      %div3A_301 = arith.divf %while3A_98#7, %mul3A_105 : vector<16xf32>
      %swap3A_302 = arith.index_cast %scan3A_10 : i32 to index
      %swap3A_303 = arith.constant 240 : index
      %swap3A_304 = tpu.vector_load %arg9[%swap3A_302, %swap3A_303] {strides = array<i32>} : memref<64x512xf32, #tpu.memory_space<vmem>>, vector<1x16xf32>,
      %swap3A_305 = vector.shape_cast %swap3A_304 : vector<1x16xf32> to vector<16xf32>
      %swap3A_306 = vector.shape_cast %div3A_301 : vector<16xf32> to vector<1x16xf32>
      tpu.vector_store %arg9[%swap3A_302, %swap3A_303], %swap3A_306 {strides = array<i32>} : memref<64x512xf32, #tpu.memory_space<vmem>>, vector<1x16xf32>,
      %jit3A_307 = arith.constant 0.000000e+00 : f32
      %broadcast_in_dim3A_308 = vector.broadcast %jit3A_307 : f32 to vector<16xf32>
      %select_n3A_309 = arith.select %gt3A_107, %while3A_98#15, %broadcast_in_dim3A_308 : vector<16xf32>
      %swap3A_310 = arith.index_cast %scan3A_10 : i32 to index
      %swap3A_311 = arith.constant 368 : index
      %swap3A_312 = tpu.vector_load %arg9[%swap3A_310, %swap3A_311] {strides = array<i32>} : memref<64x512xf32, #tpu.memory_space<vmem>>, vector<1x16xf32>,
      %swap3A_313 = vector.shape_cast %swap3A_312 : vector<1x16xf32> to vector<16xf32>
      %swap3A_314 = vector.shape_cast %select_n3A_309 : vector<16xf32> to vector<1x16xf32>
      tpu.vector_store %arg9[%swap3A_310, %swap3A_311], %swap3A_314 {strides = array<i32>} : memref<64x512xf32, #tpu.memory_space<vmem>>, vector<1x16xf32>,
      %jit3A_315 = arith.constant 0.000000e+00 : f32
      %broadcast_in_dim3A_316 = vector.broadcast %jit3A_315 : f32 to vector<16xf32>
      %select_n3A_317 = arith.select %gt3A_107, %while3A_98#23, %broadcast_in_dim3A_316 : vector<16xf32>
      %swap3A_318 = arith.index_cast %scan3A_10 : i32 to index
      %swap3A_319 = arith.constant 496 : index
      %swap3A_320 = tpu.vector_load %arg9[%swap3A_318, %swap3A_319] {strides = array<i32>} : memref<64x512xf32, #tpu.memory_space<vmem>>, vector<1x16xf32>,
      %swap3A_321 = vector.shape_cast %swap3A_320 : vector<1x16xf32> to vector<16xf32>
      %swap3A_322 = vector.shape_cast %select_n3A_317 : vector<16xf32> to vector<1x16xf32>
      tpu.vector_store %arg9[%swap3A_318, %swap3A_319], %swap3A_322 {strides = array<i32>} : memref<64x512xf32, #tpu.memory_space<vmem>>, vector<1x16xf32>,
      %gt3A_323 = arith.constant 0 : i32
      %gt3A_324 = arith.cmpi sgt, %select_n3A_42, %gt3A_323 : i32
      %gt3A_325 = arith.constant 0 : i32
      %gt3A_326 = arith.cmpi sgt, %select_n3A_78, %gt3A_325 : i32
      %convert_element_type3A_327 = arith.extui %gt3A_326 : i1 to i32
      %select_n3A_328 = arith.select %gt3A_324, %convert_element_type3A_327, %scan3A_11 : i32
      %gt3A_329 = arith.constant 0 : i32
      %gt3A_330 = arith.cmpi sgt, %select_n3A_42, %gt3A_329 : i32
      %add3A_331 = arith.addi %scan3A_12, %select_n3A_42 : i32
      %rem3A_332 = arith.constant 2 : i32
      %rem3A_333 = arith.remsi %add3A_331, %rem3A_332 : i32
      %select_n3A_334 = arith.select %gt3A_330, %rem3A_333, %scan3A_12 : i32
      scf.yield %select_n3A_328, %select_n3A_334 : i32, i32
    }
    %scan3A_9 = arith.constant 64 : i32
    "tpu.region"() ({
      %run_scoped3A = tpu.sem_alloc : memref<!tpu.dma_semaphore, #tpu.memory_space<semaphore_mem>>
      %dma_start3A = arith.constant 0 : i32
      %dma_start3A_10 = tpu.memref_slice %arg5[%mul3A_2, %dma_start3A] : memref<2048x512xf32, #tpu.memory_space<hbm>> -> memref<64x512xf32, #tpu.memory_space<hbm>>
      %dma_start3A_11 = arith.constant 0 : i32
      %dma_start3A_12 = tpu.memref_slice %arg5[%mul3A_2, %dma_start3A_11] : memref<2048x512xf32, #tpu.memory_space<hbm>> -> memref<64x512xf32, #tpu.memory_space<hbm>>
      tpu.enqueue_dma source(%arg9 : memref<64x512xf32, #tpu.memory_space<vmem>>) target(%dma_start3A_12 : memref<64x512xf32, #tpu.memory_space<hbm>>) target_semaphore(%run_scoped3A : memref<!tpu.dma_semaphore, #tpu.memory_space<semaphore_mem>>)
      %dma_wait3A = arith.constant 0 : i32
      %dma_wait3A_13 = tpu.memref_slice %arg5[%mul3A_2, %dma_wait3A] : memref<2048x512xf32, #tpu.memory_space<hbm>> -> memref<64x512xf32, #tpu.memory_space<hbm>>
      %dma_wait3A_14 = arith.constant 0 : i32
      %dma_wait3A_15 = tpu.memref_slice %arg5[%mul3A_2, %dma_wait3A_14] : memref<2048x512xf32, #tpu.memory_space<hbm>> -> memref<64x512xf32, #tpu.memory_space<hbm>>
      tpu.wait_dma2 semaphore(%run_scoped3A : memref<!tpu.dma_semaphore, #tpu.memory_space<semaphore_mem>>) src(%arg9 : memref<64x512xf32, #tpu.memory_space<vmem>>) dst(%dma_wait3A_15 : memref<64x512xf32, #tpu.memory_space<hbm>>)
      tpu.yield
    }) : () -> ()
    return
  }
}

</mosaic_0001>

<sc_bundles>
// kernel: kernel.3.cloned.1.call-start
scs
__scs_entry_jumppad:
0x0: {  	(pc) =	sbr.rel $0x88, $3  }
0x1: {  	(tag) =	ssettag $0x0;
	lr =	simm.s32 $0x1  }
0x2: {  	[smem:$0x3F9E] =	sst lr;
	_ =	strace $0xD0000000  }
0x3: {  	_ = 	snop  }
0x4: {  	_ = 	snop  }
0x5: {  	_ = 	snop  }
0x6: {  	_ = 	snop  }
0x7: {  	_ = 	snop  }
__scs_overlays_trampoline_lowered:
0x8: {  	[smem:$0x3FAD] =	sst s0  }
0x9: {  	[smem:$0x3FAE] =	sst s1  }
0xa: {  	[smem:$0x3FAF] =	sst s2  }
0xb: {  	[smem:$0x3FB0] =	sst s3  }
0xc: {  	[smem:$0x3FB1] =	sst s4  }
0xd: {  	[smem:$0x3FB2] =	sst s5  }
0xe: {  	[smem:$0x3FB3] =	sst s6  }
0xf: {  	[smem:$0x3FB4] =	sst s7  }
0x10: {  	[smem:$0x3FB5] =	sst s8  }
0x11: {  	[smem:$0x3FB6] =	sst s9;
	s0 =	simm.s32 @!p0 $0x0  }
0x12: {  	s1 =	sld [smem:$0x3F9C];
	s0 =	simm.s32 @p0 $0x1  }
0x13: {  	[smem:$0x3FB7] =	sst s0;
	s0 =	simm.s32 @!p1 $0x0  }
0x14: {  	s2 =	sld [smem:$0x3F9B];
	s0 =	simm.s32 @p1 $0x1  }
0x15: {  	[smem:$0x3FB8] =	sst s0;
	s0 =	simm.s32 @!p2 $0x0  }
0x16: {  	s3 =	sld [smem:$0x3FDB];
	s0 =	simm.s32 @p2 $0x1  }
0x17: {  	s4 =	simm.s32 $0x1BF5;
	[smem:$0x3FBA] =	sst s0  }
0x18: {  	s0 =	sld [smem:$0x3F9D];
	_ =	swait.ge [sflag:s4], $0x0  }
0x19: {  	s7 =	sld [smem:$0x3F9E]  }
0x1a: {  	s8 =	sadd.s32 $0xFFFFE003, lr  }
0x1b: {  	s9 =	sadd.s32 $0xFFFFFEF7, lr;
	s5 =	simm.s32 $0xFFFFFFFF;
	p2 =	slt.u32 s8, $0xFFFFF086  }
0x1c: {  	p1 =	slt.u32 s9, $0xF7A;
	s5 =	simm.s32 @!p2 $0x0  }
0x1d: {  	s5 =	simm.s32 @p1 $0x1;
	p0 =	seq.s32 s7, s2  }
0x1e: {  	s7 =	smul.u32 @!p0 $0xF7A, s2;
	p2 =	seq.s32 @!p0 s5, $0x0  }
0x1f: {  	s9 =	smul.u32 $0xF7A, s1;
	s8 =	simm.s32 @!p0 $0x1BF5;
	p2 =	por !p2, p0  }
0x20: {  	[sflag:s8] =	ssyncset.s32 @!p0 $0xFFFFF086;
	s6 =	sadd.s32 @!p0 s3, s7;
	s7 =	simm.s32 @!p0 $0x108  }
0x21: {  	s3 =	sadd.s32 s3, s9;
	s6 =	sadd.s32 @!p0 $0x88, s6;
	s7 =	simm.s32 @p2 $0x1082  }
0x22: {  	[simem:s7], [sflag:s8] =	dma.local @!p0 [hbm:s6], $0xF7A  }
0x23: {  	s9 =	sor.u32 $0xD0000000, s2;
	s6 =	simm.s32 $0x108;
	_ =	swait.ge @!p0 [sflag:s8], $0x0  }
0x24: {  	s3 =	sadd.s32 $0x88, s3;
	s6 =	simm.s32 @!p1 $0x1082;
	[sflag:s4] =	ssyncset.s32 $0xFFFFF086  }
0x25: {  	[simem:s6], [sflag:s4] =	dma.local [hbm:s3], $0xF7A  }
0x26: {  	[smem:$0x3F9E] =	sst s1;
	(tag) =	ssettag s2;
	_ =	strace s9  }
0x27: {  	s1 =	sld [smem:$0x3FAE]  }
0x28: {  	s2 =	sld [smem:$0x3FAF]  }
0x29: {  	s4 =	sld [smem:$0x3FB1]  }
0x2a: {  	p0 =	seq.s32 s5, $0x0;
	s5 =	sld [smem:$0x3FB2]  }
0x2b: {  	s6 =	sld [smem:$0x3FB3]  }
0x2c: {  	s7 =	sld [smem:$0x3FB4]  }
0x2d: {  	s3 =	simm.s32 $0x108;
	s8 =	sld [smem:$0x3FB5]  }
0x2e: {  	s3 =	simm.s32 @!p0 $0x1082;
	s9 =	sld [smem:$0x3FB6]  }
0x2f: {  	lr =	sadd.s32 s0, s3;
	s0 =	sld [smem:$0x3FAD]  }
0x30: {  	s3 =	sld [smem:$0x3FB0]  }
0x31: {  	[smem:$0x3FB9] =	sst s10  }
0x32: {  	s10 =	sld [smem:$0x3FB7];
	_ =	sdelay $0x3  }
0x33: {  	p0 =	seq.s32 s10, $0x1;
	s10 =	sld [smem:$0x3FB9];
	_ =	sdelay $0x3  }
0x34: {  	[smem:$0x3FB9] =	sst s10  }
0x35: {  	s10 =	sld [smem:$0x3FB8];
	_ =	sdelay $0x3  }
0x36: {  	p1 =	seq.s32 s10, $0x1;
	s10 =	sld [smem:$0x3FB9];
	_ =	sdelay $0x3  }
0x37: {  	[smem:$0x3FB9] =	sst s10  }
0x38: {  	s10 =	sld [smem:$0x3FBA]  }
0x39: {  	_ = 	snop;
	(pc) =	sbr.ind lr, $3  }
0x3a: {  	_ = 	snop  }
0x3b: {  	_ = 	snop  }
0x3c: {  	p2 =	seq.s32 s10, $0x1;
	s10 =	sld [smem:$0x3FB9]  }
0x3d: {  	_ =	shalt  }
0x3e: {  	_ =	shalt  }
0x3f: {  	_ =	shalt  }
0x40: {  	_ =	shalt  }
0x41: {  	_ =	shalt  }
0x42: {  	_ =	shalt  }
0x43: {  	_ =	shalt  }
0x44: {  	_ =	shalt  }
0x45: {  	_ =	shalt  }
0x46: {  	_ =	shalt  }
0x47: {  	_ =	shalt  }
0x48: {  	_ =	shalt  }
0x49: {  	_ =	shalt  }
0x4a: {  	_ =	shalt  }
0x4b: {  	_ =	shalt  }
0x4c: {  	_ =	shalt  }
0x4d: {  	_ =	shalt  }
0x4e: {  	_ =	shalt  }
0x4f: {  	_ =	shalt  }
0x50: {  	_ =	shalt  }
0x51: {  	_ =	shalt  }
0x52: {  	_ =	shalt  }
0x53: {  	_ =	shalt  }
0x54: {  	_ =	shalt  }
0x55: {  	_ =	shalt  }
0x56: {  	_ =	shalt  }
0x57: {  	_ =	shalt  }
0x58: {  	_ =	shalt  }
0x59: {  	_ =	shalt  }
0x5a: {  	_ =	shalt  }
0x5b: {  	_ =	shalt  }
0x5c: {  	_ =	shalt  }
0x5d: {  	_ =	shalt  }
0x5e: {  	_ =	shalt  }
0x5f: {  	_ =	shalt  }
0x60: {  	_ =	shalt  }
0x61: {  	_ =	shalt  }
0x62: {  	_ =	shalt  }
0x63: {  	_ =	shalt  }
0x64: {  	_ =	shalt  }
0x65: {  	_ =	shalt  }
0x66: {  	_ =	shalt  }
0x67: {  	_ =	shalt  }
0x68: {  	_ =	shalt  }
0x69: {  	_ =	shalt  }
0x6a: {  	_ =	shalt  }
0x6b: {  	_ =	shalt  }
0x6c: {  	_ =	shalt  }
0x6d: {  	_ =	shalt  }
0x6e: {  	_ =	shalt  }
0x6f: {  	_ =	shalt  }
0x70: {  	_ =	shalt  }
0x71: {  	_ =	shalt  }
0x72: {  	_ =	shalt  }
0x73: {  	_ =	shalt  }
0x74: {  	_ =	shalt  }
0x75: {  	_ =	shalt  }
0x76: {  	_ =	shalt  }
0x77: {  	_ =	shalt  }
0x78: {  	_ =	shalt  }
0x79: {  	_ =	shalt  }
0x7a: {  	_ =	shalt  }
0x7b: {  	_ =	shalt  }
0x7c: {  	_ =	shalt  }
0x7d: {  	_ =	shalt  }
0x7e: {  	_ =	shalt  }
0x7f: {  	_ =	shalt  }
0x80: {  	_ =	shalt  }
0x81: {  	_ =	shalt  }
0x82: {  	_ =	shalt  }
0x83: {  	_ =	shalt  }
0x84: {  	_ =	shalt  }
0x85: {  	_ =	shalt  }
0x86: {  	_ =	shalt  }
0x87: {  	_ =	shalt  }
.Lfunc_end0:
.L_simem_size_0:
called_computation_lowered:
.L_overlay_start_0:
0x88: {  	s2 =	sld [smem:$0x3FD9]  }
0x89: {  	s3 =	sld [smem:$0x3FFE];
	_ =	sdelay $0x1  }
0x8a: {  	s1 =	srdreg.scid  }
0x8b: {  	s0 =	sand.u32 $0x1, s1  }
0x8c: {  	s17 =	sshll.u32 s0, $0xA;
	s2 =	sadd.s32 s3, s2  }
0x8d: {  	s2 =	sadd.s32 s2, s17  }
0x8e: {  	[smem:$0x3FC5] =	sst s2  }
0x8f: {  	_ = 	snop  }
0x90: {  	s2 =	sld [smem:$0x3FC9]  }
0x91: {  	s18 =	sld [smem:$0x3FD0];
	(tm) =	ssettm $0x1  }
0x92: {  	s4 =	sld [smem:$0x3FFB];
	_ =	sdelay $0x3  }
0x93: {  	_ =	strace s4  }
0x94: {  	s4 =	sld [smem:$0x3FFC];
	_ =	sdelay $0x3  }
0x95: {  	_ =	strace s4  }
0x96: {  	s4 =	sld [smem:$0x3FFD];
	_ =	sdelay $0x3  }
0x97: {  	_ =	strace s4  }
0x98: {  	_ =	strace $0x8FFFFFFF  }
0x99: {  	s19 =	sld [smem:$0x3FDB];
	_ =	sdelay $0x1  }
0x9a: {  	s5 =	simm.s32 $_scs_section_size  }
0x9b: {  	s6 =	simm.s32 $_size__tile_overlayer_lowered;
	s7 =	simm.s32 $_tile_overlayer_lowered  }
0x9c: {  	s22 =	simm.s32 $0x1BFF;
	s21 =	sshll.u32 s7, $0x1;
	s4 =	sadd.s32 s5, s19  }
0x9d: {  	s8 =	simm.s32 $0x0;
	s20 =	sshll.u32 s6, $0x1;
	s6 =	sadd.s32 s21, s4  }
0x9e: {  	[timem:s8], [sflag:s22] =	dma.local [hbm:s6], s20  }
0x9f: {  	_ =	swait.ge [sflag:s22], s20  }
0xa0: {  	s5 =	ssub.s32 $0x0, s20;
	[sflag:s22] =	ssyncset.done $0x0  }
0xa1: {  	[sflag:s22] =	ssyncadd.s32 s5;
	_ =	sdelay $0x1  }
0xa2: {  	s23 =	simm.s32 $0x1B8B  }
0xa3: {  	_ =	swait.ge [sflag:s23], $0x1  }
0xa4: {  	[sflag:s23] =	ssyncset.done $0x0  }
0xa5: {  	s25 =	simm.s32 $0x1B8E;
	s24 =	sld [smem:$0x3FFE];
	[sflag:s23] =	ssyncadd.s32 $0xFFFFFFFF  }
0xa6: {  	s26 =	simm.s32 $execute0_lowered;
	[smem:$0x3FD2] =	sst s25  }
0xa7: {  	s6 =	sshll.u32 s26, $0x1;
	_ =	strace $0x80000046;
	[dreg:$0x1] =	wrdreg $0xFFFFFFFF  }
0xa8: {  	s28 =	simm.s32 $_size_execute0_lowered;
	s4 =	sadd.s32 s4, s6;
	[dreg:$0x0] =	wrdreg $0x0  }
0xa9: {  	s6 =	sshll.u32 s28, $0x1;
	[dreg:$0x2] =	wrdreg s4  }
0xaa: {  	[dreg:$0x3] =	wrdreg s6  }
0xab: {  	[dreg:$0x4] =	wrdreg $0xC0  }
0xac: {  	_ =	task [dreg:s8], $0x5FFFF  }
0xad: {  	[dreg:$0x1] =	wrdreg $0xFFFFFFFF  }
0xae: {  	[dreg:$0x0] =	wrdreg $0x60  }
0xaf: {  	[dreg:$0x2] =	wrdreg s2  }
0xb0: {  	[dreg:$0x3] =	wrdreg s24  }
0xb1: {  	[dreg:$0x4] =	wrdreg s18  }
0xb2: {  	[dreg:$0x5] =	wrdreg $0x9  }
0xb3: {  	_ =	task.clear_ibuf [dreg:s8], $0x6FFFF;
	_ =	strace $0x90000046  }
0xb4: {  	s29 =	simm.s32 $0x9;
	_ =	strace $0x80000048  }
0xb5: {  	_ =	swait.ge [sflag:s29], $0x1  }
0xb6: {  	[sflag:s29] =	ssyncadd.s32 $0xFFFFFFFF  }
0xb7: {  	_ =	strace $0x90000048  }
0xb8: {  	_ =	sfence  }
0xb9: {  	s30 =	sld [smem:$0x0];
	_ =	sdelay $0x2  }
0xba: {  	s31 =	sshll.u32 s1, $0xD;
	s1 =	sshrl.u32 s1, $0x2  }
0xbb: {  	s3 =	sand.u32 $0x4000, s31;
	s1 =	sadd.s32 s1, s30  }
0xbc: {  	s0 =	sor.u32 s3, s0;
	s1 =	sshll.u32 s1, $0x11  }
0xbd: {  	s0 =	sor.u32 s1, s0  }
0xbe: {  	s0 =	sadd.s32 $0x8F2B, s0  }
0xbf: {  	[sflag:s0] =	ssyncadd.remote.s32 $0x1  }
0xc0: {  	_ =	sfence.sel $0xFFFF  }
0xc1: {  	[dreg:$0x0] =	wrdreg $0xFFFFFFFF;
	(pc) =	sbr.abs _section_cstart, $3  }
0xc2: {  	[dreg:$0x1] =	wrdreg $0xFFFFFFFF  }
0xc3: {  	_ =	task.clear_ibuf [dreg:s8], $0x2FFFF;
	_ =	strace $0x9FFFFFFF  }
0xc4: {  	(tm) =	ssettm $0x7FFFFFFF  }
0xc5: {  	_ =	shalt  }
tec
execute0_lowered:
.L_overlay_start_1:
0x0: {  	(tag) =	ssettag $0x1  }
0x1: {  	s1 =	rddreg [dreg:$0x0]  }
0x2: {  	s0 =	rddreg [dreg:$0x1]  }
0x3: {  	s2 =	rddreg [dreg:$0x2]  }
0x4: {  	s3 =	simm.s32 $0x0;
	s4 =	srdreg.scid;
	s5 =	stileid.u32  }
0x5: {  	s9 =	simm.s32 $0x40;
	[smem:$0x7FF] =	sst s3;
	s4 =	sand.u32 $0x1, s4  }
.Ltmp0:
0x6: {  	s5 =	sshll.u32 s5, $0x7;
	_ =	strace $0x80000047;
	(pc) =	sbr.rel .LBB2_1-.Ltmp0, $4  }
0x7: {  	s6 =	ssub.s32 $0x2, s4;
	s7 =	sshll.u32 s4, $0x6;
	s4 =	sadd.s32 $0x600, s0  }
0x8: {  	s8 =	sshrl.u32 s6, $0x1;
	s11 =	sor.u32 s7, s5;
	s5 =	sadd.s32 $0x400, s0  }
0x9: {  	s30 =	ssub.s32 s6, s8;
	s31 =	sshll.u32 s11, $0x6;
	s8 =	simm.s32 $0x5  }
0xa: {  	v0 =	vmov s11;
	s11 =	simm.s32 $0x0;
	s6 =	sadd.s32 s2, s31;
	s7 =	smax.u32 s30, $0x1  }
.LBB2_8:
0xb: {  	s11 =	sadd.s32 $0x1, s11  }
0xc: {  	p0 =	sne.s32 s11, s7  }
.Ltmp1:
0xd: {  	s0 =	simm.s32 $0x8980;
	(pc) =	sbr.rel @!p0 .LBB2_9-.Ltmp1, $4  }
0xe: {  	[hbm4b:s6+s3] =	stream.linear.scatter [tilespmem:s0], [sflag:$0x5], $0x8000, $0x38;
	[tilespmem:$0x10980] =	vst v63  }
0xf: {  	_ =	swait.ge [sflag:s8], $0x8000  }
0x10: {  	[sflag:s8] =	ssyncset.done $0x0  }
0x11: {  	[sflag:s8] =	ssyncadd.s32 $0xFFFF8000  }
.LBB2_1:
.Ltmp2:
0x12: {  	(pc) =	sbr.rel .LBB2_2-.Ltmp2, $4  }
0x13: {  	[tilespmem:s3], [sflag:$0x5] =	stream.linear.gather [hbm4b:s5+s3], $0x880, $0x38;
	[tilespmem:$0x10980] =	vst v63  }
0x14: {  	_ =	swait.ge [sflag:s8], $0x880  }
0x15: {  	s12 =	simm.s32 $0x0;
	[sflag:s8] =	ssyncset.done $0x0  }
0x16: {  	s13 =	simm.s32 $0x0;
	s14 =	simm.s32 $0x0;
	[sflag:s8] =	ssyncadd.s32 $0xFFFFF780  }
.LBB2_6:
0x17: {  	v12 =	vimm.f32 $-Inf;
	v21 =	vimm.f32 $+Inf;
	v13 =	vimm.f32 $0.0e+00  }
0x18: {  	v19 =	vimm.f32 $0.0e+00;
	v24 =	vimm.f32 $0.0e+00;
	v7 =	vimm.f32 $0.0e+00  }
0x19: {  	v9 =	vimm.f32 $0.0e+00;
	v18 =	vimm.f32 $0.0e+00;
	v5 =	vimm.f32 $0.0e+00  }
0x1a: {  	v3 =	vimm.f32 $0.0e+00;
	v17 =	vimm.f32 $+Inf;
	v14 =	vimm.f32 $+Inf  }
0x1b: {  	v11 =	vimm.f32 $+Inf;
	v23 =	vimm.f32 $+Inf;
	v15 =	vimm.f32 $+Inf  }
0x1c: {  	v2 =	vimm.f32 $+Inf;
	v4 =	vimm.f32 $+Inf;
	v10 =	vimm.f32 $-Inf  }
0x1d: {  	v22 =	vimm.f32 $-Inf;
	v20 =	vimm.f32 $-Inf;
	v16 =	vimm.f32 $-Inf  }
0x1e: {  	v8 =	vimm.f32 $-Inf;
	v1 =	vimm.f32 $-Inf;
	v6 =	vimm.f32 $-Inf  }
.LBB2_7:
0x1f: {  	s2 =	ssub.s32 s18, s17  }
0x20: {  	s0 =	scvt.s32.f32 s2;
	_ =	sdelay $0x1  }
0x21: {  	s29 =	sshll.u32 s14, $0x9;
	s10 =	sshll.u32 s14, $0x7;
	s0 =	smax.f32 s0, $1.000000000e+00  }
0x22: {  	s10 =	sand.u32 $0x380, s10;
	v25 =	vmov s0;
	s0 =	sand.u32 $0x7000, s29  }
0x23: {  	p0 =	sgt.s32 s2, $0x0;
	s0 =	sor.u32 s10, s0  }
0x24: {  	v48 =	vpsel !p0, $0x0, v21;
	[tilespmem:s0+$0x8980] =	vst v13  }
0x25: {  	v12 =	vpsel !p0, $0x0, v12;
	[tilespmem:s0+$0x9180] =	vst v48  }
0x26: {  	[tilespmem:s0+$0x9580] =	vst v12  }
0x27: {  	v50 =	vpsel !p0, $0x0, v17;
	[tilespmem:s0+$0x8990] =	vst v19  }
0x28: {  	v10 =	vpsel !p0, $0x0, v10;
	[tilespmem:s0+$0x9190] =	vst v50  }
0x29: {  	[tilespmem:s0+$0x9590] =	vst v10  }
0x2a: {  	v52 =	vpsel !p0, $0x0, v14;
	[tilespmem:s0+$0x89A0] =	vst v24  }
0x2b: {  	v53 =	vpsel !p0, $0x0, v22;
	[tilespmem:s0+$0x91A0] =	vst v52  }
0x2c: {  	[tilespmem:s0+$0x95A0] =	vst v53  }
0x2d: {  	v55 =	vpsel !p0, $0x0, v11;
	[tilespmem:s0+$0x89B0] =	vst v7  }
0x2e: {  	v56 =	vpsel !p0, $0x0, v20;
	[tilespmem:s0+$0x91B0] =	vst v55  }
0x2f: {  	(erf) = vrcp.f32 v25;
	[tilespmem:s0+$0x95B0] =	vst v56  }
0x30: {  	v58 =	vpsel !p0, $0x0, v23;
	[tilespmem:s0+$0x89C0] =	vst v9  }
0x31: {  	v59 =	vpsel !p0, $0x0, v16;
	[tilespmem:s0+$0x91C0] =	vst v58  }
0x32: {  	[tilespmem:s0+$0x95C0] =	vst v59  }
0x33: {  	v61 =	vpsel !p0, $0x0, v15;
	[tilespmem:s0+$0x89D0] =	vst v18  }
0x34: {  	v62 =	vpsel !p0, $0x0, v8;
	[tilespmem:s0+$0x91D0] =	vst v61  }
0x35: {  	[tilespmem:s0+$0x95D0] =	vst v62  }
0x36: {  	v2 =	vpsel !p0, $0x0, v2;
	[tilespmem:s0+$0x89E0] =	vst v5  }
0x37: {  	v1 =	vpsel !p0, $0x0, v1;
	[tilespmem:s0+$0x91E0] =	vst v2  }
0x38: {  	[tilespmem:s0+$0x95E0] =	vst v1;
	v25 =	vpop (erf)  }
0x39: {  	[tilespmem:s0+$0x89F0] =	vst v3;
	v2 =	vpsel !p0, $0x0, v6;
	v26 =	vmul.f32 v13, v25  }
0x3a: {  	[tilespmem:s0+$0x95F0] =	vst v2;
	v49 =	vmul.f32 v19, v25  }
0x3b: {  	v51 =	vmul.f32 v24, v25;
	[tilespmem:s0+$0x8D80] =	vst v26  }
0x3c: {  	v1 =	vmul.f32 v3, v25;
	[tilespmem:s0+$0x8D90] =	vst v49  }
0x3d: {  	s14 =	sadd.s32 $0x1, s14;
	v54 =	vmul.f32 v7, v25;
	[tilespmem:s0+$0x8DA0] =	vst v51  }
0x3e: {  	s30 =	sadd.s32 s12, s15;
	v57 =	vmul.f32 v9, v25;
	[tilespmem:s0+$0x8DF0] =	vst v1;
	v1 =	vpsel !p0, $0x0, v4;
	p0 =	sne.s32 s14, $0x40  }
.Ltmp3:
0x3f: {  	s31 =	sshrl.u32 s30, $0x1F;
	v60 =	vmul.f32 v18, v25;
	[tilespmem:s0+$0x8DB0] =	vst v54;
	(pc) =	sbr.rel @!p0 .LBB2_8-.Ltmp3, $4  }
0x40: {  	p1 =	sgt.s32 s15, $0x0;
	s10 =	sadd.s32 s31, s30;
	v63 =	vmul.f32 v5, v25;
	[tilespmem:s0+$0x8DC0] =	vst v57  }
0x41: {  	p2 =	sgt.s32 s16, $0x0;
	s15 =	simm.s32 $0x1;
	s10 =	sand.u32 $0xFFFFFFFE, s10;
	[tilespmem:s0+$0x8DD0] =	vst v60  }
0x42: {  	s15 =	simm.s32 @!p2 $0x0;
	s2 =	ssub.s32 s30, s10;
	[tilespmem:s0+$0x8DE0] =	vst v63  }
0x43: {  	s13 =	smov.u32 @p1 s15;
	s12 =	smov.u32 @p1 s2;
	[tilespmem:s0+$0x91F0] =	vst v1  }
.LBB2_2:
0x44: {  	_ =	sdelay $0x3  }
0x45: {  	v1 =	vld.idx.msk [tilespmem:v0+s14+$0x0 ss:$0x1], $0xffff;
	_ =	sdelay $0x4  }
0x46: {  	(v2sf) =	vpush v1, $0x0  }
0x47: {  	(v2sf) =	vpush v1, $0x1;
	_ =	sdelay $0x2  }
0x48: {  	(v2sf) =	vpush v1, $0x2;
	_ =	sdelay $0xa  }
0x49: {  	s17 =	spop (v2sf)  }
0x4a: {  	s18 =	spop (v2sf);
	s19 =	sand.u32 $0xFFFFFFF8, s17  }
0x4b: {  	s20 =	ssub.s32 s18, s19  }
0x4c: {  	s0 =	sadd.s32 $0x7F, s20  }
0x4d: {  	s2 =	spop (v2sf);
	s29 =	sand.u32 $0xFFFFFFF8, s18;
	s15 =	sshra.s32 s0, $0x1F  }
0x4e: {  	s16 =	sand.u32 $0x7F, s0;
	p0 =	slt.s32 s0, $0x1;
	s15 =	sshrl.u32 s15, $0x19  }
0x4f: {  	p1 =	sne.s32 s16, $0x0;
	s0 =	sadd.s32 s15, s0;
	s15 =	ssub.s32 s2, s29  }
0x50: {  	s16 =	simm.s32 $0x1;
	p0 =	por !p0, !p1;
	s21 =	sadd.s32 $0x7F, s15  }
0x51: {  	p0 =	por !p0, !p0;
	s0 =	sshra.s32 s0, $0x7;
	s30 =	sand.u32 $0x7F, s21  }
0x52: {  	s16 =	simm.s32 @!p0 $0x0;
	p2 =	slt.s32 s21, $0x1;
	p5 =	sne.s32 s30, $0x0  }
0x53: {  	p0 =	sgt.s32 s18, s17;
	s15 =	ssub.s32 s0, s16;
	p6 =	por !p2, !p5  }
0x54: {  	s16 =	simm.s32 $0x1;
	s15 =	simm.s32 @!p0 $0x0;
	p0 =	por !p6, !p6  }
0x55: {  	s16 =	simm.s32 @!p0 $0x0;
	p0 =	sne.s32 s13, $0x0  }
0x56: {  	s31 =	sshra.s32 s21, $0x1F;
	p2 =	slt.s32 @!p0 s15, $0x1  }
0x57: {  	s0 =	sshrl.u32 s31, $0x19;
	p0 =	por p0, p2  }
.Ltmp4:
0x58: {  	s0 =	sadd.s32 s0, s21;
	(pc) =	sbr.rel @p0 .LBB2_5-.Ltmp4, $4  }
0x59: {  	s0 =	sshra.s32 s0, $0x7  }
0x5a: {  	p1 =	sgt.s32 s2, s18;
	s16 =	ssub.s32 s0, s16  }
0x5b: {  	p3 =	sne.s32 s14, $0x3F;
	s16 =	simm.s32 @!p1 $0x0  }
0x5c: {  	s16 =	simm.s32 @!p3 $0x0  }
0x5d: {  	s0 =	sshll.u32 s12, $0x9  }
0x5e: {  	s2 =	sshrl.u32 s17, $0x3;
	s0 =	sshra.s32 s0, $0x2  }
0x5f: {  	s22 =	sshll.u32 s12, $0x3;
	s2 =	sadd.s32 s4, s2;
	s21 =	sadd.s32 $0x880, s0  }
0x60: {  	[tilespmem:s21], [sflag:$0x5] =	stream.linear.gather [hbm4b:s2+s3], $0x80, $0x38;
	[tilespmem:$0x10980] =	vst v63  }
0x61: {  	s30 =	sshll.u32 s12, $0x10;
	s22 =	sshra.s32 s22, $0x2;
	_ =	swait.ge [sflag:s8], $0x80  }
.Ltmp5:
0x62: {  	s2 =	sshra.s32 s30, $0x2;
	[sflag:s8] =	ssyncset.done $0x0;
	(pc) =	sbr.rel .LBB2_4-.Ltmp5, $4  }
0x63: {  	s24 =	sor.u32 $0x1, s22;
	s23 =	sor.u32 $0x980, s2;
	[sflag:s8] =	ssyncadd.s32 $0xFFFFFF80  }
0x64: {  	[tilespmem:s23], [sflag:s24] =	stream.indirect.gather [hbm4b:s1+s9], $0x80, s21, s9, $0xb8;
	[tilespmem:$0x10980] =	vst v63  }
0x65: {  	s0 =	sadd.s32 $0x8C0, s0;
	s31 =	sadd.s32 $0x2, s22;
	s2 =	sor.u32 $0x2980, s2  }
0x66: {  	[tilespmem:s2], [sflag:s31] =	stream.indirect.gather [hbm4b:s1+s9], $0x80, s0, s9, $0xb8;
	[tilespmem:$0x10980] =	vst v63  }
.LBB2_5:
0x67: {  	p0 =	slt.s32 s15, $0x1  }
.Ltmp6:
0x68: {  	_ = 	snop;
	(pc) =	sbr.rel @p0 .LBB2_6-.Ltmp6, $1  }
0x69: {  	_ =	sdelay $0x3  }
.LBB2_4:
0x6a: {  	v3 =	vimm.f32 $0.0e+00;
	v4 =	vimm.f32 $+Inf;
	v6 =	vimm.f32 $-Inf  }
0x6b: {  	v1 =	vimm.f32 $-Inf;
	v8 =	vimm.f32 $-Inf;
	v16 =	vimm.f32 $-Inf  }
0x6c: {  	v20 =	vimm.f32 $-Inf;
	v22 =	vimm.f32 $-Inf;
	v10 =	vimm.f32 $-Inf  }
.Ltmp7:
0x6d: {  	v12 =	vimm.f32 $-Inf;
	v2 =	vimm.f32 $+Inf;
	v15 =	vimm.f32 $+Inf;
	(pc) =	sbr.rel .LBB2_11-.Ltmp7, $4  }
0x6e: {  	v23 =	vimm.f32 $+Inf;
	v11 =	vimm.f32 $+Inf;
	v14 =	vimm.f32 $+Inf  }
0x6f: {  	v17 =	vimm.f32 $+Inf;
	v21 =	vimm.f32 $+Inf;
	v5 =	vimm.f32 $0.0e+00  }
0x70: {  	s0 =	sshrl.u32 s18, $0x3;
	v18 =	vimm.f32 $0.0e+00;
	v9 =	vimm.f32 $0.0e+00;
	v7 =	vimm.f32 $0.0e+00;
	s22 =	ssub.s32 s17, s19  }
0x71: {  	s23 =	simm.s32 $0x0;
	p0 =	slt.s32 s16, $0x1;
	v24 =	vimm.f32 $0.0e+00;
	v19 =	vimm.f32 $0.0e+00;
	v13 =	vimm.f32 $0.0e+00;
	s21 =	sadd.s32 s4, s0  }
.LBB2_18:
0x72: {  	v11 =	vmin.f32 v11, v28;
	v20 =	vmax.f32 v20, v28;
	v23 =	vmin.f32 v23, v26  }
0x73: {  	v16 =	vmax.f32 v16, v26;
	v15 =	vmin.f32 v15, v25;
	v8 =	vmax.f32 v8, v25  }
0x74: {  	v2 =	vmin.f32 v2, v29;
	v1 =	vmax.f32 v1, v29;
	v7 =	vadd.f32 v28, v7  }
0x75: {  	v21 =	vmin.f32 v21, v27;
	v9 =	vadd.f32 v26, v9;
	v18 =	vadd.f32 v25, v18  }
0x76: {  	v12 =	vmax.f32 v12, v27;
	v5 =	vadd.f32 v29, v5;
	v13 =	vadd.f32 v27, v13  }
.LBB2_10:
0x77: {  	p1 =	seq.s32 s23, s15  }
.Ltmp8:
0x78: {  	_ = 	snop;
	(pc) =	sbr.rel @p1 .LBB2_7-.Ltmp8, $2  }
0x79: {  	_ =	sdelay $0x2  }
0x7a: {  	s22 =	sadd.s32 $0xFFFFFF80, s22;
	s20 =	sadd.s32 $0xFFFFFF80, s20  }
.LBB2_11:
0x7b: {  	s0 =	sadd.s32 s12, s23  }
0x7c: {  	s2 =	smov.u32 s23;
	s23 =	sshrl.u32 s0, $0x1F  }
0x7d: {  	s23 =	sadd.s32 s23, s0  }
0x7e: {  	s24 =	sand.u32 $0xFFFFFFFE, s23;
	s23 =	sadd.s32 $0x1, s2  }
0x7f: {  	s0 =	ssub.s32 s0, s24;
	p1 =	sge.s32 s23, s15  }
0x80: {  	s24 =	ssub.s32 $0x1, s0;
	s25 =	sshll.u32 @!p1 s23, $0x7  }
0x81: {  	s26 =	sshll.u32 @!p1 s24, $0x7;
	s25 =	sadd.s32 @!p1 s17, s25  }
0x82: {  	s26 =	sand.u32 @!p1 $0x3FFFFF80, s26;
	s25 =	sshrl.u32 @!p1 s25, $0x3  }
0x83: {  	s29 =	simm.s32 @!p1 $0x0;
	s28 =	sadd.s32 @!p1 $0x880, s26;
	s25 =	sadd.s32 @!p1 s4, s25  }
0x84: {  	[tilespmem:s28], [sflag:$0x5] =	stream.linear.gather @!p1 [hbm4b:s25+s29], $0x80, $0x38;
	[tilespmem:$0x10980] =	vst v63  }
0x85: {  	s25 =	simm.s32 @!p1 $0x5  }
0x86: {  	_ =	swait.ge @!p1 [sflag:s25], $0x80  }
0x87: {  	s30 =	sshll.u32 @!p1 s24, $0x1;
	s29 =	sshll.u32 @!p1 s24, $0xE;
	[sflag:s25] =	ssyncset.done @!p1 $0x0  }
0x88: {  	[sflag:s25] =	ssyncadd.s32 @!p1 $0xFFFFFF80;
	s25 =	sand.u32 @!p1 $0x3FFFC000, s29;
	s29 =	sand.u32 @!p1 $0x3FFFFFFE, s30  }
0x89: {  	s10 =	simm.s32 @!p1 $0x40;
	s30 =	sor.u32 @!p1 $0x980, s25;
	s31 =	sor.u32 @!p1 $0x1, s29  }
0x8a: {  	[tilespmem:s30], [sflag:s31] =	stream.indirect.gather @!p1 [hbm4b:s1+s10], $0x80, s28, s10, $0xb8;
	[tilespmem:$0x10980] =	vst v63  }
0x8b: {  	s26 =	sadd.s32 @!p1 $0x8C0, s26;
	s25 =	sor.u32 @!p1 $0x2980, s25;
	s28 =	sadd.s32 @!p1 $0x2, s29  }
0x8c: {  	[tilespmem:s25], [sflag:s28] =	stream.indirect.gather @!p1 [hbm4b:s1+s10], $0x80, s26, s10, $0xb8;
	[tilespmem:$0x10980] =	vst v63  }
0x8d: {  	p1 =	slt.s32 @!p0 s23, s15  }
0x8e: {  	p1 =	por p1, p0  }
0x8f: {  	s10 =	sshll.u32 @!p1 s24, $0x7  }
0x90: {  	s10 =	sand.u32 @!p1 $0x3FFFFF80, s10  }
0x91: {  	s26 =	simm.s32 @!p1 $0x0;
	s25 =	sadd.s32 @!p1 $0x880, s10  }
0x92: {  	[tilespmem:s25], [sflag:$0x5] =	stream.linear.gather @!p1 [hbm4b:s21+s26], $0x80, $0x38;
	[tilespmem:$0x10980] =	vst v63  }
0x93: {  	s2 =	sshll.u32 s2, $0x7;
	s26 =	simm.s32 @!p1 $0x5  }
0x94: {  	s2 =	sadd.s32 s19, s2;
	_ =	swait.ge @!p1 [sflag:s26], $0x80  }
0x95: {  	s28 =	sshll.u32 @!p1 s24, $0xE;
	s24 =	sshll.u32 @!p1 s24, $0x1;
	[sflag:s26] =	ssyncset.done @!p1 $0x0  }
0x96: {  	s24 =	sand.u32 @!p1 $0x3FFFFFFE, s24;
	[sflag:s26] =	ssyncadd.s32 @!p1 $0xFFFFFF80;
	s26 =	sand.u32 @!p1 $0x3FFFC000, s28  }
0x97: {  	s30 =	simm.s32 @!p1 $0x40;
	s29 =	sor.u32 @!p1 $0x1, s24;
	s28 =	sor.u32 @!p1 $0x980, s26  }
0x98: {  	[tilespmem:s28], [sflag:s29] =	stream.indirect.gather @!p1 [hbm4b:s1+s30], $0x80, s25, s30, $0xb8;
	[tilespmem:$0x10980] =	vst v63  }
0x99: {  	s10 =	sadd.s32 @!p1 $0x8C0, s10;
	s24 =	sadd.s32 @!p1 $0x2, s24;
	s25 =	sor.u32 @!p1 $0x2980, s26  }
0x9a: {  	[tilespmem:s25], [sflag:s24] =	stream.indirect.gather @!p1 [hbm4b:s1+s30], $0x80, s10, s30, $0xb8;
	[tilespmem:$0x10980] =	vst v63  }
0x9b: {  	s25 =	ssub.s32 s17, s2;
	s24 =	ssub.s32 s18, s2  }
0x9c: {  	s26 =	sshll.u32 s0, $0x3;
	p1 =	sgt.s32 s25, $0x0;
	p2 =	slt.s32 s24, $0x80  }
0x9d: {  	s2 =	sshra.s32 s26, $0x2;
	s25 =	simm.s32 @!p1 $0x0;
	s24 =	simm.s32 @!p2 $0x80  }
0x9e: {  	s26 =	simm.s32 $0x1;
	s10 =	ssub.s32 s24, s25;
	p1 =	sne.s32 s24, s25  }
0x9f: {  	s28 =	sor.u32 $0x1, s2;
	s29 =	sshra.s32 s10, $0x1F;
	s26 =	simm.s32 @!p1 $0x0  }
0xa0: {  	_ =	swait.ge [sflag:s28], $0x2000;
	s26 =	sor.u32 s26, s29;
	s29 =	sand.u32 $0x1, s10  }
0xa1: {  	[sflag:s28] =	ssyncset.done $0x0;
	p1 =	sne.s32 s26, $0x1;
	p6 =	seq.s32 s29, $0x1  }
0xa2: {  	[sflag:s28] =	ssyncadd.s32 $0xFFFFE000;
	s26 =	sshrl.u32 s10, $0x1F;
	p2 =	por !p1, !p6  }
0xa3: {  	s28 =	simm.s32 $0x1;
	s10 =	sadd.s32 s26, s10;
	p2 =	por !p2, !p2  }
0xa4: {  	s26 =	sshra.s32 s10, $0x1;
	s28 =	simm.s32 @!p2 $0x0  }
0xa5: {  	s30 =	smov.u32 s22;
	p2 =	sgt.s32 s22, $0x0;
	s31 =	ssub.s32 s26, s28  }
0xa6: {  	s30 =	simm.s32 @!p2 $0x0;
	p2 =	slt.s32 s31, $0x1  }
.Ltmp9:
0xa7: {  	_ = 	snop;
	(pc) =	sbr.rel @p2 .LBB2_15-.Ltmp9, $4  }
0xa8: {  	s2 =	sadd.s32 $0x2, s2  }
0xa9: {  	_ =	swait.ge [sflag:s2], $0x2000  }
0xaa: {  	[sflag:s2] =	ssyncset.done $0x0  }
0xab: {  	s29 =	sshll.u32 s0, $0x10;
	[sflag:s2] =	ssyncadd.s32 $0xFFFFE000;
	s28 =	sshll.u32 s30, $0x9  }
0xac: {  	s0 =	sadd.s32 s28, s29  }
0xad: {  	s0 =	sshra.s32 s0, $0x2  }
0xae: {  	s2 =	sadd.s32 $0xA00, s0  }
0xaf: {  	v29 =	vld [tilespmem:s2+$0xFFFFFFF0]  }
0xb0: {  	v26 =	vld [tilespmem:s2+$0x30]  }
0xb1: {  	v27 =	vld [tilespmem:s2+$0xFFFFFF90]  }
0xb2: {  	v34 =	vld [tilespmem:s2+$0xFFFFFFA0]  }
0xb3: {  	v28 =	vld [tilespmem:s2+$0xFFFFFFB0]  }
0xb4: {  	v30 =	vld [tilespmem:s2+$0xFFFFFFC0]  }
0xb5: {  	v32 =	vld [tilespmem:s2+$0xFFFFFFD0]  }
0xb6: {  	v31 =	vld [tilespmem:s2+$0xFFFFFF80]  }
0xb7: {  	v36 =	vld [tilespmem:s2+$0x70];
	v3 =	vadd.f32 v29, v3;
	v4 =	vmin.f32 v4, v29  }
0xb8: {  	v25 =	vld [tilespmem:s2+$0x40];
	v6 =	vmax.f32 v6, v29;
	v24 =	vadd.f32 v34, v24;
	v20 =	vmax.f32 v20, v28  }
0xb9: {  	p2 =	sgt.s32 s31, $0x1;
	v9 =	vadd.f32 v30, v9;
	v23 =	vmin.f32 v23, v30;
	v16 =	vmax.f32 v16, v30;
	v30 =	vld [tilespmem:s2+$0x50]  }
.Ltmp10:
0xba: {  	v18 =	vadd.f32 v32, v18;
	v15 =	vmin.f32 v15, v32;
	v8 =	vmax.f32 v8, v32;
	v29 =	vld [tilespmem:s2+$0x20];
	(pc) =	sbr.rel @!p2 .LBB2_14-.Ltmp10, $4  }
0xbb: {  	v35 =	vld [tilespmem:s2+$0x10];
	v11 =	vmin.f32 v11, v28;
	v22 =	vmax.f32 v22, v34;
	v21 =	vmin.f32 v21, v31  }
0xbc: {  	v33 =	vld [tilespmem:s2+$0xFFFFFFE0];
	v19 =	vadd.f32 v27, v19;
	v17 =	vmin.f32 v17, v27;
	v14 =	vmin.f32 v14, v34  }
0xbd: {  	v32 =	vld [tilespmem:s2+$0x60];
	v4 =	vmin.f32 v4, v36;
	v6 =	vmax.f32 v6, v36;
	v11 =	vmin.f32 v11, v26  }
0xbe: {  	s0 =	simm.s32 $0x1;
	v34 =	vld [tilespmem:s2+$0x0];
	s2 =	sadd.s32 $0x100, s2;
	v3 =	vadd.f32 v36, v3;
	v9 =	vadd.f32 v25, v9;
	v8 =	vmax.f32 v8, v30  }
.LBB2_13:
0xbf: {  	v36 =	vld [tilespmem:s2+$0xFFFFFFF0];
	s0 =	sadd.s32 $0x1, s0;
	v10 =	vmax.f32 v10, v27;
	v14 =	vmin.f32 v14, v29;
	v16 =	vmax.f32 v16, v25  }
0xc0: {  	v7 =	vadd.f32 v28, v7;
	v15 =	vmin.f32 v15, v30;
	v37 =	vld [tilespmem:s2+$0x30];
	p2 =	slt.s32 s0, s31;
	v17 =	vmin.f32 v17, v35  }
0xc1: {  	v13 =	vadd.f32 v31, v13;
	v19 =	vadd.f32 v35, v19;
	v10 =	vmax.f32 v10, v35;
	v27 =	vld [tilespmem:s2+$0xFFFFFF90]  }
0xc2: {  	v12 =	vmax.f32 v12, v31;
	v20 =	vmax.f32 v20, v26;
	v7 =	vadd.f32 v26, v7;
	v38 =	vld [tilespmem:s2+$0xFFFFFFA0]  }
0xc3: {  	v5 =	vadd.f32 v33, v5;
	v28 =	vld [tilespmem:s2+$0xFFFFFFB0];
	v13 =	vadd.f32 v34, v13;
	v21 =	vmin.f32 v21, v34  }
0xc4: {  	v18 =	vadd.f32 v30, v18;
	v2 =	vmin.f32 v2, v33;
	v35 =	vld [tilespmem:s2+$0xFFFFFFC0];
	v3 =	vadd.f32 v36, v3  }
0xc5: {  	v24 =	vadd.f32 v29, v24;
	v4 =	vmin.f32 v4, v36;
	v6 =	vmax.f32 v6, v36;
	v39 =	vld [tilespmem:s2+$0xFFFFFFD0];
	v26 =	vmovc v37  }
0xc6: {  	v1 =	vmax.f32 v1, v33;
	v2 =	vmin.f32 v2, v32;
	v12 =	vmax.f32 v12, v34;
	v36 =	vld [tilespmem:s2+$0x70]  }
0xc7: {  	v22 =	vmax.f32 v22, v29;
	v23 =	vmin.f32 v23, v25;
	v5 =	vadd.f32 v32, v5;
	v25 =	vld [tilespmem:s2+$0x40]  }
0xc8: {  	v1 =	vmax.f32 v1, v32;
	v24 =	vadd.f32 v38, v24;
	v31 =	vld [tilespmem:s2+$0xFFFFFF80];
	v20 =	vmax.f32 v20, v28  }
0xc9: {  	v9 =	vadd.f32 v35, v9;
	v23 =	vmin.f32 v23, v35;
	v16 =	vmax.f32 v16, v35;
	v30 =	vld [tilespmem:s2+$0x50]  }
.Ltmp11:
0xca: {  	v18 =	vadd.f32 v39, v18;
	v15 =	vmin.f32 v15, v39;
	v8 =	vmax.f32 v8, v39;
	v29 =	vld [tilespmem:s2+$0x20];
	(pc) =	sbr.rel @p2 .LBB2_13-.Ltmp11, $4  }
0xcb: {  	v11 =	vmin.f32 v11, v28;
	v35 =	vld [tilespmem:s2+$0x10];
	v3 =	vadd.f32 v36, v3;
	v4 =	vmin.f32 v4, v36  }
0xcc: {  	v22 =	vmax.f32 v22, v38;
	v6 =	vmax.f32 v6, v36;
	v33 =	vld [tilespmem:s2+$0xFFFFFFE0];
	v9 =	vadd.f32 v25, v9  }
0xcd: {  	v19 =	vadd.f32 v27, v19;
	v17 =	vmin.f32 v17, v27;
	v21 =	vmin.f32 v21, v31;
	v32 =	vld [tilespmem:s2+$0x60]  }
0xce: {  	v14 =	vmin.f32 v14, v38;
	v11 =	vmin.f32 v11, v26;
	v34 =	vld [tilespmem:s2+$0x0];
	v8 =	vmax.f32 v8, v30;
	s2 =	sadd.s32 $0x100, s2  }
.LBB2_14:
0xcf: {  	v10 =	vmax.f32 v10, v27  }
0xd0: {  	v14 =	vmin.f32 v14, v29;
	v16 =	vmax.f32 v16, v25;
	v15 =	vmin.f32 v15, v30  }
0xd1: {  	v12 =	vmax.f32 v12, v31;
	v20 =	vmax.f32 v20, v26;
	v18 =	vadd.f32 v30, v18  }
0xd2: {  	v24 =	vadd.f32 v29, v24;
	v22 =	vmax.f32 v22, v29;
	v23 =	vmin.f32 v23, v25  }
0xd3: {  	v7 =	vadd.f32 v28, v7;
	v17 =	vmin.f32 v17, v35;
	v13 =	vadd.f32 v31, v13  }
0xd4: {  	v19 =	vadd.f32 v35, v19;
	v10 =	vmax.f32 v10, v35;
	v5 =	vadd.f32 v33, v5  }
0xd5: {  	v2 =	vmin.f32 v2, v33;
	v1 =	vmax.f32 v1, v33;
	v7 =	vadd.f32 v26, v7  }
0xd6: {  	v2 =	vmin.f32 v2, v32;
	v1 =	vmax.f32 v1, v32;
	v13 =	vadd.f32 v34, v13  }
0xd7: {  	v21 =	vmin.f32 v21, v34;
	v12 =	vmax.f32 v12, v34;
	v5 =	vadd.f32 v32, v5  }
.LBB2_15:
0xd8: {  	s0 =	sshll.u32 s31, $0x1  }
0xd9: {  	s0 =	sadd.s32 s25, s0  }
0xda: {  	p2 =	sge.s32 s0, s24  }
.Ltmp12:
0xdb: {  	_ = 	snop;
	(pc) =	sbr.rel @p2 .LBB2_10-.Ltmp12, $1  }
0xdc: {  	_ =	sdelay $0x3  }
0xdd: {  	p2 =	slt.s32 s20, $0x80;
	s2 =	smov.u32 s20  }
0xde: {  	s2 =	simm.s32 @!p2 $0x80  }
0xdf: {  	s2 =	ssub.s32 s2, s30  }
0xe0: {  	s2 =	sand.u32 $0x1, s2  }
0xe1: {  	p6 =	seq.s32 s2, $0x1  }
0xe2: {  	p1 =	por !p1, !p6  }
0xe3: {  	s2 =	simm.s32 $0x1;
	p1 =	por !p1, !p1  }
0xe4: {  	s2 =	simm.s32 @!p1 $0x0  }
0xe5: {  	s2 =	ssub.s32 s26, s2  }
0xe6: {  	s2 =	sshll.u32 s2, $0xA  }
0xe7: {  	s2 =	sadd.s32 s2, s29  }
0xe8: {  	s2 =	sadd.s32 s28, s2  }
0xe9: {  	s2 =	sshra.s32 s2, $0x2  }
0xea: {  	s2 =	sadd.s32 $0x9C0, s2  }
0xeb: {  	v27 =	vld [tilespmem:s2+$0x30]  }
0xec: {  	v29 =	vld [tilespmem:s2+$0xFFFFFFD0]  }
0xed: {  	s0 =	sadd.s32 $0x1, s0;
	v30 =	vld [tilespmem:s2+$0xFFFFFFE0]  }
0xee: {  	p1 =	slt.s32 s0, s24;
	v28 =	vld [tilespmem:s2+$0xFFFFFFF0]  }
.Ltmp13:
0xef: {  	v26 =	vld [tilespmem:s2+$0x0];
	(pc) =	sbr.rel @!p1 .LBB2_18-.Ltmp13, $4  }
0xf0: {  	v25 =	vld [tilespmem:s2+$0x10]  }
0xf1: {  	v19 =	vadd.f32 v29, v19;
	v17 =	vmin.f32 v17, v29;
	v10 =	vmax.f32 v10, v29;
	v29 =	vld [tilespmem:s2+$0x20]  }
0xf2: {  	v3 =	vadd.f32 v27, v3;
	v4 =	vmin.f32 v4, v27;
	v6 =	vmax.f32 v6, v27;
	v27 =	vld [tilespmem:s2+$0xFFFFFFC0]  }
0xf3: {  	v24 =	vadd.f32 v30, v24;
	v14 =	vmin.f32 v14, v30;
	v22 =	vmax.f32 v22, v30;
	s2 =	sadd.s32 $0x80, s2  }
.LBB2_17:
0xf4: {  	v30 =	vld [tilespmem:s2+$0x30];
	s0 =	sadd.s32 $0x1, s0;
	v7 =	vadd.f32 v28, v7;
	v11 =	vmin.f32 v11, v28;
	v20 =	vmax.f32 v20, v28  }
0xf5: {  	v9 =	vadd.f32 v26, v9;
	v23 =	vmin.f32 v23, v26;
	v16 =	vmax.f32 v16, v26;
	v31 =	vld [tilespmem:s2+$0xFFFFFFD0];
	p1 =	slt.s32 s0, s24  }
0xf6: {  	v18 =	vadd.f32 v25, v18;
	v15 =	vmin.f32 v15, v25;
	v8 =	vmax.f32 v8, v25;
	v32 =	vld [tilespmem:s2+$0xFFFFFFE0]  }
.Ltmp14:
0xf7: {  	v5 =	vadd.f32 v29, v5;
	v2 =	vmin.f32 v2, v29;
	v1 =	vmax.f32 v1, v29;
	v28 =	vld [tilespmem:s2+$0xFFFFFFF0];
	(pc) =	sbr.rel @p1 .LBB2_17-.Ltmp14, $4  }
0xf8: {  	v13 =	vadd.f32 v27, v13;
	v21 =	vmin.f32 v21, v27;
	v12 =	vmax.f32 v12, v27;
	v26 =	vld [tilespmem:s2+$0x0]  }
0xf9: {  	v25 =	vld [tilespmem:s2+$0x10];
	v3 =	vadd.f32 v30, v3;
	v4 =	vmin.f32 v4, v30;
	v6 =	vmax.f32 v6, v30  }
0xfa: {  	v19 =	vadd.f32 v31, v19;
	v17 =	vmin.f32 v17, v31;
	v10 =	vmax.f32 v10, v31;
	v29 =	vld [tilespmem:s2+$0x20]  }
0xfb: {  	v27 =	vld [tilespmem:s2+$0xFFFFFFC0];
	v24 =	vadd.f32 v32, v24;
	v14 =	vmin.f32 v14, v32;
	v22 =	vmax.f32 v22, v32;
	s2 =	sadd.s32 $0x80, s2  }
.Ltmp15:
0xfc: {  	_ = 	snop;
	(pc) =	sbr.rel .LBB2_18-.Ltmp15, $1  }
0xfd: {  	_ =	sdelay $0x3  }
.LBB2_9:
0xfe: {  	_ =	sfence.sel $0x180000  }
0xff: {  	[bflag:$0x0] =	sbarrier.arrive $0xFFFF  }
0x100: {  	_ =	strace $0x90000047  }
0x101: {  	s0 =	stileid.u32;
	[bflag:$0x2] =	sbarrier.arrive $0xFFFF  }
0x102: {  	p0 =	sne.s32 s0, $0x0;
	s0 =	rddreg [dreg:$0x3]  }
0x103: {  	s0 =	sadd.s32 @!p0 $0x100000, s0  }
0x104: {  	[sflag:s0] =	ssyncadd.tile.s32 @!p0 $0x1;
	_ =	shalt  }
.Lfunc_end2:
_tile_overlayer_lowered:
.L_overlay_start_2:
0x105: {  	(tag) =	ssettag $0x2  }
0x106: {  	s0 =	rddreg [dreg:$0x0];
	s2 =	stileid.u32  }
0x107: {  	s1 =	rddreg [dreg:$0x1];
	p0 =	sne.s32 s2, $0x0  }
0x108: {  	s3 =	rddreg [dreg:$0x2];
	[bflag:$0x3] =	sbarrier.arrive $0xFFFF;
	s2 =	simm.s32 @!p0 $0x1C05  }
0x109: {  	[timem:s3], [sflag:s2] =	dma.local @!p0 [hbm:s0], s1  }
0x10a: {  	s0 =	simm.s32 @!p0 $0x5  }
0x10b: {  	_ =	swait.ge @!p0 [sflag:s0], s1  }
0x10c: {  	s1 =	ssub.s32 @!p0 $0x0, s1;
	[sflag:s0] =	ssyncset.done @!p0 $0x0  }
0x10d: {  	[sflag:s0] =	ssyncadd.s32 @!p0 s1  }
0x10e: {  	[bflag:$0x3] =	sbarrier.arrive $0xFFFF  }
0x10f: {  	_ =	shalt  }

</sc_bundles>
